<compile_context>
chip_gen: v7x
topology: tpu7x:2x2x1
jax: 0.10.2.dev20260603
libtpu: 0.0.44.dev20260713+nightly
codegen_flags: <defaults>
</compile_context>

<pallas_src>
import functools

import jax
import jax.numpy as jnp
import numpy as np
from jax.experimental import pallas as pl
from jax.experimental.pallas import tpu as pltpu

_NPTS = 64
_LANES = 128
_RQ = 56


def _make_kernel_body(h: int, w: int, rq: int):
    inv_w = np.float32(1.0 / w)
    col_step = np.float32(2.0 / (w - 1))
    row_step = np.float32(2.0 / (h - 1))
    k_step = np.float32(1.0 / (_NPTS - 1))

    def body(params_ref, depth_ref, xyp_ref, w_ref, cm_ref,
             zs_ref, dirs_ref, org_ref, xy_ref):
        fx = params_ref[0, 0, 0]
        fy = params_ref[0, 0, 1]
        px = params_ref[0, 0, 2]
        py = params_ref[0, 0, 3]
        r = [[params_ref[0, 0, 4 + 3 * i + j] for j in range(3)]
             for i in range(3)]
        t = [params_ref[0, 0, 13 + j] for j in range(3)]

        q0 = pl.program_id(0) * rq

        d_blk = depth_ref[0]
        ia = jax.lax.broadcasted_iota(jnp.int32, (_NPTS, _LANES), 0)
        il = jax.lax.broadcasted_iota(jnp.int32, (_NPTS, _LANES), 1)
        even_sel = (il == 2 * ia).astype(jnp.float32)
        odd_sel = (il == 2 * ia + 1).astype(jnp.float32)
        cdims = (((1,), (1,)), ((), ()))
        de_t = jax.lax.dot_general(even_sel, d_blk, cdims,
                                   preferred_element_type=jnp.float32)
        do_t = jax.lax.dot_general(odd_sel, d_blk, cdims,
                                   preferred_element_type=jnp.float32)
        lane1 = jax.lax.broadcasted_iota(jnp.int32, (1, _LANES), 1)
        lo_half = lane1 < _NPTS
        kline2 = ((lane1 % _NPTS).astype(jnp.float32) * k_step
                  + jnp.float32(0.5))
        for i in range(rq):
            dsel = jnp.where(lo_half, de_t[:, i:i + 1], do_t[:, i:i + 1])
            zs_ref[0, i] = dsel * kline2

        rowi = jax.lax.broadcasted_iota(jnp.int32, (rq, _LANES), 0)
        lane = jax.lax.broadcasted_iota(jnp.int32, (rq, _LANES), 1)
        pf = ((q0 + rowi) * _LANES + lane).astype(jnp.float32)
        qf = jnp.floor((pf + jnp.float32(0.5)) * inv_w)
        cf = pf - jnp.float32(w) * qf
        x = cf * col_step - jnp.float32(1.0)
        y = qf * row_step - jnp.float32(1.0)

        ux = (x - px) / fx
        uy = (y - py) / fy
        dx = ux * r[0][0] + uy * r[0][1] + r[0][2]
        dy = ux * r[1][0] + uy * r[1][1] + r[1][2]
        dz = ux * r[2][0] + uy * r[2][1] + r[2][2]
        inv = jax.lax.rsqrt(dx * dx + dy * dy + dz * dz)
        s_cat = jnp.concatenate([dx * inv, dy * inv, dz * inv],
                                axis=1)
        for s in range(3):
            dirs_ref[0, :, s, :] = jnp.dot(s_cat, w_ref[s],
                                           preferred_element_type=jnp.float32)

        o = [-(t[0] * r[i][0] + t[1] * r[i][1] + t[2] * r[i][2])
             for i in range(3)]
        for s in range(3):
            cms = cm_ref[s:s + 1, :]
            row = jnp.where(cms == 0.0, o[0],
                            jnp.where(cms == 1.0, o[1], o[2]))
            org_ref[0, :, s, :] = jnp.broadcast_to(row, (rq, _LANES))

        xy_ref[0] = xyp_ref[...]

    return body


@functools.cache
def _spread_select_w():
    w = np.zeros((3, 3 * _LANES, _LANES), np.float32)
    for s in range(3):
        for l in range(_LANES):
            m = _LANES * s + l
            c, p = m % 3, m // 3
            w[s, c * _LANES + p, l] = 1.0
    return jnp.asarray(w)


@functools.cache
def _cyc3_pattern():
    cm = np.zeros((3, _LANES), np.float32)
    for s in range(3):
        for l in range(_LANES):
            cm[s, l] = (_LANES * s + l) % 3
    return jnp.asarray(cm)


@jax.jit
def _run(depth_channel, R, T, focal, principal, xy_grid):
    B_, H_, W_ = depth_channel.shape
    n = H_ * W_
    nq = n // _LANES
    rq = _RQ
    grid = (nq // rq, B_)

    depth_in = depth_channel.reshape(B_, nq, _LANES)
    xy_pairs = xy_grid.reshape(2 * nq, _LANES)
    params = jnp.concatenate(
        [focal, principal, R.reshape(B_, 9), T], axis=1).reshape(B_, 1, 16)
    w_mat = _spread_select_w()
    cm = _cyc3_pattern()

    zs, dirs, org, xy = pl.pallas_call(
        _make_kernel_body(H_, W_, rq),
        grid=grid,
        in_specs=[
            pl.BlockSpec((1, 1, 16), lambda q, b: (b, 0, 0),
                         memory_space=pltpu.SMEM),
            pl.BlockSpec((1, rq, _LANES), lambda q, b: (b, q, 0)),
            pl.BlockSpec((2 * rq, _LANES), lambda q, b: (q, 0)),
            pl.BlockSpec((3, 3 * _LANES, _LANES), lambda q, b: (0, 0, 0)),
            pl.BlockSpec((3, _LANES), lambda q, b: (0, 0)),
        ],
        out_specs=[
            pl.BlockSpec((1, rq, _NPTS, _LANES), lambda q, b: (b, q, 0, 0)),
            pl.BlockSpec((1, rq, 3, _LANES), lambda q, b: (b, q, 0, 0)),
            pl.BlockSpec((1, rq, 3, _LANES), lambda q, b: (b, q, 0, 0)),
            pl.BlockSpec((1, 2 * rq, _LANES), lambda q, b: (b, q, 0)),
        ],
        out_shape=[
            jax.ShapeDtypeStruct((B_, nq, _NPTS, _LANES), jnp.float32),
            jax.ShapeDtypeStruct((B_, nq, 3, _LANES), jnp.float32),
            jax.ShapeDtypeStruct((B_, nq, 3, _LANES), jnp.float32),
            jax.ShapeDtypeStruct((B_, 2 * nq, _LANES), jnp.float32),
        ],
        compiler_params=pltpu.CompilerParams(
            dimension_semantics=("arbitrary", "arbitrary")),
    )(params, depth_in, xy_pairs, w_mat, cm)

    return (org.reshape(B_, H_, W_, 3),
            dirs.reshape(B_, H_, W_, 3),
            zs.reshape(B_, H_, W_, _NPTS),
            xy.reshape(B_, H_, W_, 2))


def kernel(depth_channel, R, T, focal, principal, xy_grid):
    return _run(depth_channel, R, T, focal, principal, xy_grid)

# --- scband reference (transcript-rebuilt; emitter-appended) ---
"""Pipeline reference for scband-depth-based-multinomial-raysampler-6528350290391 (READ-ONLY COPY).

The authoritative reference and input builder live on the scoring server;
editing this copy changes nothing except your own understanding.
"""

import jax, jax.numpy as jnp
import numpy as np

B = 4
H = 224
W = 224
NPTS = 64


def setup_inputs(seed: int = 0) -> dict:
    key = jax.random.key(seed)
    k1, k2, k3, k4, k5 = jax.random.split(key, 5)
    depth_channel = jax.random.uniform(k1, (B, H, W), minval=0.5, maxval=10.0, dtype=jnp.float32)
    R_raw = jax.random.normal(k2, (B, 3, 3), dtype=jnp.float32)
    # orthonormalize so R behaves like a batch of camera rotations
    R, _ = jnp.linalg.qr(R_raw)
    T = jax.random.normal(k3, (B, 3), dtype=jnp.float32)
    focal = jax.random.uniform(k4, (B, 2), minval=0.8, maxval=1.5, dtype=jnp.float32)
    principal = jax.random.normal(k5, (B, 2), dtype=jnp.float32) * 0.1
    # module buffer _xy_grid built from linspace meshgrid (min/max = -1..1)
    y, x = jnp.meshgrid(jnp.linspace(-1.0, 1.0, H, dtype=jnp.float32),
                        jnp.linspace(-1.0, 1.0, W, dtype=jnp.float32), indexing='ij')
    xy_grid = jnp.stack([x, y], axis=-1)
    return {"depth_channel": depth_channel, "R": R, "T": T, "focal": focal,
            "principal": principal, "xy_grid": xy_grid}


def _unproject_points(points, R, T, focal, principal):
    # perspective unprojection from NDC: x_cam = (x_ndc - p) * z / f, z_cam = z
    xy = points[..., :2]
    z = points[..., 2:3]
    xy_cam = (xy - principal[:, None, :]) * z / focal[:, None, :]
    cam = jnp.concatenate([xy_cam, z], axis=-1)
    # pytorch3d row-vector convention: X_cam = X_world @ R + T  =>  X_world = (X_cam - T) @ R^T
    return jnp.einsum('bnj,bij->bni', cam - T[:, None, :], R)


def reference(depth_channel, R, T, focal, principal, xy_grid):
    B_ = depth_channel.shape[0]
    H_, W_ = xy_grid.shape[0], xy_grid.shape[1]
    n = H_ * W_
    # depth-based ray z samples: NPTS depths per pixel centered around the depth channel
    rays_zs = depth_channel.reshape(B_, n, 1) * jnp.linspace(0.5, 1.5, NPTS, dtype=jnp.float32)
    # _custom_xy_to_ray_bundle
    xy_flat = jnp.broadcast_to(xy_grid.reshape(1, 1, n, 2), (B_, 2, n, 2)).reshape(B_, 2 * n, 2)
    zs = jnp.concatenate([jnp.ones((B_, n, 1), jnp.float32), 2.0 * jnp.ones((B_, n, 1), jnp.float32)], axis=1)
    to_unproject = jnp.concatenate([xy_flat, zs], axis=-1)
    unprojected = _unproject_points(to_unproject, R, T, focal, principal)
    rays_plane_1 = unprojected[:, :n]
    rays_plane_2 = unprojected[:, n:]
    dirs = rays_plane_2 - rays_plane_1
    origins = rays_plane_1 - dirs
    # unit_directions=True
    dirs = dirs / jnp.linalg.norm(dirs, axis=-1, keepdims=True)
    return (origins.reshape(B_, H_, W_, 3),
            dirs.reshape(B_, H_, W_, 3),
            rays_zs.reshape(B_, H_, W_, NPTS),
            jnp.broadcast_to(xy_grid[None], (B_, H_, W_, 2)))

if __name__ == "__main__":
    import jax
    _d = setup_inputs()
    print(jax.jit(kernel)(*tuple(_d.values())))

</pallas_src>

<mosaic_0001>
module attributes {stable_mosaic.version = 14 : i64} {
  func.func @body(%arg0: i32, %arg1: i32, %arg2: memref<1x1x16xf32, #tpu.memory_space<smem>>, %arg3: memref<1x56x128xf32, #tpu.memory_space<vmem>>, %arg4: memref<112x128xf32, #tpu.memory_space<vmem>>, %arg5: memref<3x384x128xf32, #tpu.memory_space<vmem>>, %arg6: memref<3x128xf32, #tpu.memory_space<vmem>>, %arg7: memref<1x56x64x128xf32, #tpu.memory_space<vmem>>, %arg8: memref<1x56x3x128xf32, #tpu.memory_space<vmem>>, %arg9: memref<1x56x3x128xf32, #tpu.memory_space<vmem>>, %arg10: memref<1x112x128xf32, #tpu.memory_space<vmem>>) attributes {dimension_semantics = [#tpu.dimension_semantics<arbitrary>, #tpu.dimension_semantics<arbitrary>], iteration_bounds = array<i64: 7, 4>, scalar_prefetch = 0 : i64, scratch_operands = 0 : i64, tpu.core_type = #tpu.core_type<tc>, window_params = [{transform_indices = @transform_0, window_bounds = array<i64: 1, 1, 16>}, {transform_indices = @transform_1, window_bounds = array<i64: 1, 56, 128>}, {transform_indices = @transform_2, window_bounds = array<i64: 112, 128>}, {pipeline_mode = #tpu.pipeline_mode<synchronous>, transform_indices = @transform_3, window_bounds = array<i64: 3, 384, 128>}, {pipeline_mode = #tpu.pipeline_mode<synchronous>, transform_indices = @transform_4, window_bounds = array<i64: 3, 128>}, {transform_indices = @transform_5, window_bounds = array<i64: 1, 56, 64, 128>}, {transform_indices = @transform_6, window_bounds = array<i64: 1, 56, 3, 128>}, {transform_indices = @transform_7, window_bounds = array<i64: 1, 56, 3, 128>}, {transform_indices = @transform_8, window_bounds = array<i64: 1, 112, 128>}]} {
    %get3A = arith.constant 0 : index
    %get3A_0 = arith.constant 0 : index
    %get3A_1 = arith.constant 0 : index
    %get3A_2 = memref.load %arg2[%get3A, %get3A_0, %get3A_1] : memref<1x1x16xf32, #tpu.memory_space<smem>>
    %get3A_3 = arith.constant 0 : index
    %get3A_4 = arith.constant 0 : index
    %get3A_5 = arith.constant 1 : index
    %get3A_6 = memref.load %arg2[%get3A_3, %get3A_4, %get3A_5] : memref<1x1x16xf32, #tpu.memory_space<smem>>
    %get3A_7 = arith.constant 0 : index
    %get3A_8 = arith.constant 0 : index
    %get3A_9 = arith.constant 2 : index
    %get3A_10 = memref.load %arg2[%get3A_7, %get3A_8, %get3A_9] : memref<1x1x16xf32, #tpu.memory_space<smem>>
    %get3A_11 = arith.constant 0 : index
    %get3A_12 = arith.constant 0 : index
    %get3A_13 = arith.constant 3 : index
    %get3A_14 = memref.load %arg2[%get3A_11, %get3A_12, %get3A_13] : memref<1x1x16xf32, #tpu.memory_space<smem>>
    %get3A_15 = arith.constant 0 : index
    %get3A_16 = arith.constant 0 : index
    %get3A_17 = arith.constant 4 : index
    %get3A_18 = memref.load %arg2[%get3A_15, %get3A_16, %get3A_17] : memref<1x1x16xf32, #tpu.memory_space<smem>>
    %get3A_19 = arith.constant 0 : index
    %get3A_20 = arith.constant 0 : index
    %get3A_21 = arith.constant 5 : index
    %get3A_22 = memref.load %arg2[%get3A_19, %get3A_20, %get3A_21] : memref<1x1x16xf32, #tpu.memory_space<smem>>
    %get3A_23 = arith.constant 0 : index
    %get3A_24 = arith.constant 0 : index
    %get3A_25 = arith.constant 6 : index
    %get3A_26 = memref.load %arg2[%get3A_23, %get3A_24, %get3A_25] : memref<1x1x16xf32, #tpu.memory_space<smem>>
    %get3A_27 = arith.constant 0 : index
    %get3A_28 = arith.constant 0 : index
    %get3A_29 = arith.constant 7 : index
    %get3A_30 = memref.load %arg2[%get3A_27, %get3A_28, %get3A_29] : memref<1x1x16xf32, #tpu.memory_space<smem>>
    %get3A_31 = arith.constant 0 : index
    %get3A_32 = arith.constant 0 : index
    %get3A_33 = arith.constant 8 : index
    %get3A_34 = memref.load %arg2[%get3A_31, %get3A_32, %get3A_33] : memref<1x1x16xf32, #tpu.memory_space<smem>>
    %get3A_35 = arith.constant 0 : index
    %get3A_36 = arith.constant 0 : index
    %get3A_37 = arith.constant 9 : index
    %get3A_38 = memref.load %arg2[%get3A_35, %get3A_36, %get3A_37] : memref<1x1x16xf32, #tpu.memory_space<smem>>
    %get3A_39 = arith.constant 0 : index
    %get3A_40 = arith.constant 0 : index
    %get3A_41 = arith.constant 10 : index
    %get3A_42 = memref.load %arg2[%get3A_39, %get3A_40, %get3A_41] : memref<1x1x16xf32, #tpu.memory_space<smem>>
    %get3A_43 = arith.constant 0 : index
    %get3A_44 = arith.constant 0 : index
    %get3A_45 = arith.constant 11 : index
    %get3A_46 = memref.load %arg2[%get3A_43, %get3A_44, %get3A_45] : memref<1x1x16xf32, #tpu.memory_space<smem>>
    %get3A_47 = arith.constant 0 : index
    %get3A_48 = arith.constant 0 : index
    %get3A_49 = arith.constant 12 : index
    %get3A_50 = memref.load %arg2[%get3A_47, %get3A_48, %get3A_49] : memref<1x1x16xf32, #tpu.memory_space<smem>>
    %get3A_51 = arith.constant 0 : index
    %get3A_52 = arith.constant 0 : index
    %get3A_53 = arith.constant 13 : index
    %get3A_54 = memref.load %arg2[%get3A_51, %get3A_52, %get3A_53] : memref<1x1x16xf32, #tpu.memory_space<smem>>
    %get3A_55 = arith.constant 0 : index
    %get3A_56 = arith.constant 0 : index
    %get3A_57 = arith.constant 14 : index
    %get3A_58 = memref.load %arg2[%get3A_55, %get3A_56, %get3A_57] : memref<1x1x16xf32, #tpu.memory_space<smem>>
    %get3A_59 = arith.constant 0 : index
    %get3A_60 = arith.constant 0 : index
    %get3A_61 = arith.constant 15 : index
    %get3A_62 = memref.load %arg2[%get3A_59, %get3A_60, %get3A_61] : memref<1x1x16xf32, #tpu.memory_space<smem>>
    %mul3A = arith.constant 56 : i32
    %mul3A_63 = arith.muli %arg0, %mul3A : i32
    %get3A_64 = arith.constant 0 : index
    %get3A_65 = arith.constant 0 : index
    %get3A_66 = arith.constant 0 : index
    %get3A_67 = vector.load %arg3[%get3A_64, %get3A_65, %get3A_66] : memref<1x56x128xf32, #tpu.memory_space<vmem>>, vector<1x56x128xf32>
    %get3A_68 = vector.shape_cast %get3A_67 : vector<1x56x128xf32> to vector<56x128xf32>
    %iota3A = tpu.iota {dimensions = array<i32: 0>} : vector<64x128xi32>
    %iota3A_69 = tpu.iota {dimensions = array<i32: 1>} : vector<64x128xi32>
    %mul3A_70 = arith.constant 2 : i32
    %mul3A_71 = vector.broadcast %mul3A_70 : i32 to vector<64x128xi32>
    %mul3A_72 = arith.muli %mul3A_71, %iota3A : vector<64x128xi32>
    %eq3A = arith.cmpi eq, %iota3A_69, %mul3A_72 : vector<64x128xi32>
    %convert_element_type3A = arith.extui %eq3A : vector<64x128xi1> to vector<64x128xi32>
    %convert_element_type3A_73 = arith.sitofp %convert_element_type3A : vector<64x128xi32> to vector<64x128xf32>
    %mul3A_74 = arith.constant 2 : i32
    %mul3A_75 = vector.broadcast %mul3A_74 : i32 to vector<64x128xi32>
    %mul3A_76 = arith.muli %mul3A_75, %iota3A : vector<64x128xi32>
    %add3A = arith.constant 1 : i32
    %add3A_77 = vector.broadcast %add3A : i32 to vector<64x128xi32>
    %add3A_78 = arith.addi %mul3A_76, %add3A_77 : vector<64x128xi32>
    %eq3A_79 = arith.cmpi eq, %iota3A_69, %add3A_78 : vector<64x128xi32>
    %convert_element_type3A_80 = arith.extui %eq3A_79 : vector<64x128xi1> to vector<64x128xi32>
    %convert_element_type3A_81 = arith.sitofp %convert_element_type3A_80 : vector<64x128xi32> to vector<64x128xf32>
    %dot_general3A = arith.constant dense<0.000000e+00> : vector<64x56xf32>
    %dot_general3A_82 = tpu.matmul %convert_element_type3A_73, %get3A_68, %dot_general3A {dimension_numbers = #tpu.dot_dimension_numbers<[1], [1], [0], [0], [0, 0, 1, 0], [], []>, transpose_lhs_hint = false} : vector<64x128xf32>, vector<56x128xf32>, vector<64x56xf32> -> vector<64x56xf32>
    %dot_general3A_83 = arith.constant dense<0.000000e+00> : vector<64x56xf32>
    %dot_general3A_84 = tpu.matmul %convert_element_type3A_81, %get3A_68, %dot_general3A_83 {dimension_numbers = #tpu.dot_dimension_numbers<[1], [1], [0], [0], [0, 0, 1, 0], [], []>, transpose_lhs_hint = false} : vector<64x128xf32>, vector<56x128xf32>, vector<64x56xf32> -> vector<64x56xf32>
    %iota3A_85 = tpu.iota {dimensions = array<i32: 1>} : vector<1x128xi32>
    %lt3A = arith.constant 64 : i32
    %lt3A_86 = vector.broadcast %lt3A : i32 to vector<1x128xi32>
    %lt3A_87 = arith.cmpi slt, %iota3A_85, %lt3A_86 : vector<1x128xi32>
    %jit3A = arith.constant 64 : i32
    %eq3A_88 = arith.constant 0 : i32
    %eq3A_89 = arith.cmpi eq, %jit3A, %eq3A_88 : i32
    %jit3A_90 = arith.constant 1 : i32
    %select_n3A = arith.select %eq3A_89, %jit3A_90, %jit3A : i32
    %rem3A = vector.broadcast %select_n3A : i32 to vector<1x128xi32>
    %rem3A_91 = arith.remsi %iota3A_85, %rem3A : vector<1x128xi32>
    %ne3A = arith.constant 0 : i32
    %ne3A_92 = vector.broadcast %ne3A : i32 to vector<1x128xi32>
    %ne3A_93 = arith.cmpi ne, %rem3A_91, %ne3A_92 : vector<1x128xi32>
    %lt3A_94 = arith.constant 0 : i32
    %lt3A_95 = vector.broadcast %lt3A_94 : i32 to vector<1x128xi32>
    %lt3A_96 = arith.cmpi slt, %rem3A_91, %lt3A_95 : vector<1x128xi32>
    %lt3A_97 = arith.constant 0 : i32
    %lt3A_98 = arith.cmpi slt, %select_n3A, %lt3A_97 : i32
    %ne3A_99 = vector.broadcast %lt3A_98 : i1 to vector<1x128xi1>
    %ne3A_100 = vector.broadcast %ne3A_99 : vector<1x128xi1> to vector<1x128xi1>
    %ne3A_101 = arith.xori %lt3A_96, %ne3A_100 : vector<1x128xi1>
    %and3A = arith.andi %ne3A_101, %ne3A_93 : vector<1x128xi1>
    %add3A_102 = vector.broadcast %select_n3A : i32 to vector<1x128xi32>
    %add3A_103 = arith.addi %rem3A_91, %add3A_102 : vector<1x128xi32>
    %select_n3A_104 = arith.select %and3A, %add3A_103, %rem3A_91 : vector<1x128xi1>, vector<1x128xi32>
    %convert_element_type3A_105 = arith.sitofp %select_n3A_104 : vector<1x128xi32> to vector<1x128xf32>
    %mul3A_106 = arith.constant 0.0158730168 : f32
    %mul3A_107 = vector.broadcast %mul3A_106 : f32 to vector<1x128xf32>
    %mul3A_108 = arith.mulf %convert_element_type3A_105, %mul3A_107 : vector<1x128xf32>
    %add3A_109 = arith.constant 5.000000e-01 : f32
    %add3A_110 = vector.broadcast %add3A_109 : f32 to vector<1x128xf32>
    %add3A_111 = arith.addf %mul3A_108, %add3A_110 : vector<1x128xf32>
    %slice3A = vector.extract_strided_slice %dot_general3A_82 {offsets = [0, 0], sizes = [64, 1], strides = [1, 1]} : vector<64x56xf32> to vector<64x1xf32>
    %slice3A_112 = vector.extract_strided_slice %dot_general3A_84 {offsets = [0, 0], sizes = [64, 1], strides = [1, 1]} : vector<64x56xf32> to vector<64x1xf32>
    %broadcast_in_dim3A = vector.shape_cast %lt3A_87 : vector<1x128xi1> to vector<1x128xi1>
    %broadcast_in_dim3A_113 = vector.broadcast %broadcast_in_dim3A : vector<1x128xi1> to vector<64x128xi1>
    %broadcast_in_dim3A_114 = vector.shape_cast %slice3A : vector<64x1xf32> to vector<64x1xf32>
    %broadcast_in_dim3A_115 = vector.broadcast %broadcast_in_dim3A_114 : vector<64x1xf32> to vector<64x128xf32>
    %broadcast_in_dim3A_116 = vector.shape_cast %slice3A_112 : vector<64x1xf32> to vector<64x1xf32>
    %broadcast_in_dim3A_117 = vector.broadcast %broadcast_in_dim3A_116 : vector<64x1xf32> to vector<64x128xf32>
    %select_n3A_118 = arith.select %broadcast_in_dim3A_113, %broadcast_in_dim3A_115, %broadcast_in_dim3A_117 : vector<64x128xi1>, vector<64x128xf32>
    %mul3A_119 = vector.broadcast %add3A_111 : vector<1x128xf32> to vector<64x128xf32>
    %mul3A_120 = arith.mulf %select_n3A_118, %mul3A_119 : vector<64x128xf32>
    %swap3A = arith.constant 0 : index
    %swap3A_121 = arith.constant 0 : index
    %swap3A_122 = arith.constant 0 : index
    %swap3A_123 = arith.constant 0 : index
    %swap3A_124 = vector.load %arg7[%swap3A, %swap3A_121, %swap3A_122, %swap3A_123] : memref<1x56x64x128xf32, #tpu.memory_space<vmem>>, vector<1x1x64x128xf32>
    %swap3A_125 = vector.shape_cast %swap3A_124 : vector<1x1x64x128xf32> to vector<64x128xf32>
    %swap3A_126 = vector.shape_cast %mul3A_120 : vector<64x128xf32> to vector<1x1x64x128xf32>
    tpu.vector_store %arg7[%swap3A, %swap3A_121, %swap3A_122, %swap3A_123], %swap3A_126 {strides = array<i32>} : memref<1x56x64x128xf32, #tpu.memory_space<vmem>>, vector<1x1x64x128xf32>,
    %slice3A_127 = vector.extract_strided_slice %dot_general3A_82 {offsets = [0, 1], sizes = [64, 1], strides = [1, 1]} : vector<64x56xf32> to vector<64x1xf32>
    %slice3A_128 = vector.extract_strided_slice %dot_general3A_84 {offsets = [0, 1], sizes = [64, 1], strides = [1, 1]} : vector<64x56xf32> to vector<64x1xf32>
    %broadcast_in_dim3A_129 = vector.shape_cast %lt3A_87 : vector<1x128xi1> to vector<1x128xi1>
    %broadcast_in_dim3A_130 = vector.broadcast %broadcast_in_dim3A_129 : vector<1x128xi1> to vector<64x128xi1>
    %broadcast_in_dim3A_131 = vector.shape_cast %slice3A_127 : vector<64x1xf32> to vector<64x1xf32>
    %broadcast_in_dim3A_132 = vector.broadcast %broadcast_in_dim3A_131 : vector<64x1xf32> to vector<64x128xf32>
    %broadcast_in_dim3A_133 = vector.shape_cast %slice3A_128 : vector<64x1xf32> to vector<64x1xf32>
    %broadcast_in_dim3A_134 = vector.broadcast %broadcast_in_dim3A_133 : vector<64x1xf32> to vector<64x128xf32>
    %select_n3A_135 = arith.select %broadcast_in_dim3A_130, %broadcast_in_dim3A_132, %broadcast_in_dim3A_134 : vector<64x128xi1>, vector<64x128xf32>
    %mul3A_136 = vector.broadcast %add3A_111 : vector<1x128xf32> to vector<64x128xf32>
    %mul3A_137 = arith.mulf %select_n3A_135, %mul3A_136 : vector<64x128xf32>
    %swap3A_138 = arith.constant 0 : index
    %swap3A_139 = arith.constant 1 : index
    %swap3A_140 = arith.constant 0 : index
    %swap3A_141 = arith.constant 0 : index
    %swap3A_142 = vector.load %arg7[%swap3A_138, %swap3A_139, %swap3A_140, %swap3A_141] : memref<1x56x64x128xf32, #tpu.memory_space<vmem>>, vector<1x1x64x128xf32>
    %swap3A_143 = vector.shape_cast %swap3A_142 : vector<1x1x64x128xf32> to vector<64x128xf32>
    %swap3A_144 = vector.shape_cast %mul3A_137 : vector<64x128xf32> to vector<1x1x64x128xf32>
    tpu.vector_store %arg7[%swap3A_138, %swap3A_139, %swap3A_140, %swap3A_141], %swap3A_144 {strides = array<i32>} : memref<1x56x64x128xf32, #tpu.memory_space<vmem>>, vector<1x1x64x128xf32>,
    %slice3A_145 = vector.extract_strided_slice %dot_general3A_82 {offsets = [0, 2], sizes = [64, 1], strides = [1, 1]} : vector<64x56xf32> to vector<64x1xf32>
    %slice3A_146 = vector.extract_strided_slice %dot_general3A_84 {offsets = [0, 2], sizes = [64, 1], strides = [1, 1]} : vector<64x56xf32> to vector<64x1xf32>
    %broadcast_in_dim3A_147 = vector.shape_cast %lt3A_87 : vector<1x128xi1> to vector<1x128xi1>
    %broadcast_in_dim3A_148 = vector.broadcast %broadcast_in_dim3A_147 : vector<1x128xi1> to vector<64x128xi1>
    %broadcast_in_dim3A_149 = vector.shape_cast %slice3A_145 : vector<64x1xf32> to vector<64x1xf32>
    %broadcast_in_dim3A_150 = vector.broadcast %broadcast_in_dim3A_149 : vector<64x1xf32> to vector<64x128xf32>
    %broadcast_in_dim3A_151 = vector.shape_cast %slice3A_146 : vector<64x1xf32> to vector<64x1xf32>
    %broadcast_in_dim3A_152 = vector.broadcast %broadcast_in_dim3A_151 : vector<64x1xf32> to vector<64x128xf32>
    %select_n3A_153 = arith.select %broadcast_in_dim3A_148, %broadcast_in_dim3A_150, %broadcast_in_dim3A_152 : vector<64x128xi1>, vector<64x128xf32>
    %mul3A_154 = vector.broadcast %add3A_111 : vector<1x128xf32> to vector<64x128xf32>
    %mul3A_155 = arith.mulf %select_n3A_153, %mul3A_154 : vector<64x128xf32>
    %swap3A_156 = arith.constant 0 : index
    %swap3A_157 = arith.constant 2 : index
    %swap3A_158 = arith.constant 0 : index
    %swap3A_159 = arith.constant 0 : index
    %swap3A_160 = vector.load %arg7[%swap3A_156, %swap3A_157, %swap3A_158, %swap3A_159] : memref<1x56x64x128xf32, #tpu.memory_space<vmem>>, vector<1x1x64x128xf32>
    %swap3A_161 = vector.shape_cast %swap3A_160 : vector<1x1x64x128xf32> to vector<64x128xf32>
    %swap3A_162 = vector.shape_cast %mul3A_155 : vector<64x128xf32> to vector<1x1x64x128xf32>
    tpu.vector_store %arg7[%swap3A_156, %swap3A_157, %swap3A_158, %swap3A_159], %swap3A_162 {strides = array<i32>} : memref<1x56x64x128xf32, #tpu.memory_space<vmem>>, vector<1x1x64x128xf32>,
    %slice3A_163 = vector.extract_strided_slice %dot_general3A_82 {offsets = [0, 3], sizes = [64, 1], strides = [1, 1]} : vector<64x56xf32> to vector<64x1xf32>
    %slice3A_164 = vector.extract_strided_slice %dot_general3A_84 {offsets = [0, 3], sizes = [64, 1], strides = [1, 1]} : vector<64x56xf32> to vector<64x1xf32>
    %broadcast_in_dim3A_165 = vector.shape_cast %lt3A_87 : vector<1x128xi1> to vector<1x128xi1>
    %broadcast_in_dim3A_166 = vector.broadcast %broadcast_in_dim3A_165 : vector<1x128xi1> to vector<64x128xi1>
    %broadcast_in_dim3A_167 = vector.shape_cast %slice3A_163 : vector<64x1xf32> to vector<64x1xf32>
    %broadcast_in_dim3A_168 = vector.broadcast %broadcast_in_dim3A_167 : vector<64x1xf32> to vector<64x128xf32>
    %broadcast_in_dim3A_169 = vector.shape_cast %slice3A_164 : vector<64x1xf32> to vector<64x1xf32>
    %broadcast_in_dim3A_170 = vector.broadcast %broadcast_in_dim3A_169 : vector<64x1xf32> to vector<64x128xf32>
    %select_n3A_171 = arith.select %broadcast_in_dim3A_166, %broadcast_in_dim3A_168, %broadcast_in_dim3A_170 : vector<64x128xi1>, vector<64x128xf32>
    %mul3A_172 = vector.broadcast %add3A_111 : vector<1x128xf32> to vector<64x128xf32>
    %mul3A_173 = arith.mulf %select_n3A_171, %mul3A_172 : vector<64x128xf32>
    %swap3A_174 = arith.constant 0 : index
    %swap3A_175 = arith.constant 3 : index
    %swap3A_176 = arith.constant 0 : index
    %swap3A_177 = arith.constant 0 : index
    %swap3A_178 = vector.load %arg7[%swap3A_174, %swap3A_175, %swap3A_176, %swap3A_177] : memref<1x56x64x128xf32, #tpu.memory_space<vmem>>, vector<1x1x64x128xf32>
    %swap3A_179 = vector.shape_cast %swap3A_178 : vector<1x1x64x128xf32> to vector<64x128xf32>
    %swap3A_180 = vector.shape_cast %mul3A_173 : vector<64x128xf32> to vector<1x1x64x128xf32>
    tpu.vector_store %arg7[%swap3A_174, %swap3A_175, %swap3A_176, %swap3A_177], %swap3A_180 {strides = array<i32>} : memref<1x56x64x128xf32, #tpu.memory_space<vmem>>, vector<1x1x64x128xf32>,
    %slice3A_181 = vector.extract_strided_slice %dot_general3A_82 {offsets = [0, 4], sizes = [64, 1], strides = [1, 1]} : vector<64x56xf32> to vector<64x1xf32>
    %slice3A_182 = vector.extract_strided_slice %dot_general3A_84 {offsets = [0, 4], sizes = [64, 1], strides = [1, 1]} : vector<64x56xf32> to vector<64x1xf32>
    %broadcast_in_dim3A_183 = vector.shape_cast %lt3A_87 : vector<1x128xi1> to vector<1x128xi1>
    %broadcast_in_dim3A_184 = vector.broadcast %broadcast_in_dim3A_183 : vector<1x128xi1> to vector<64x128xi1>
    %broadcast_in_dim3A_185 = vector.shape_cast %slice3A_181 : vector<64x1xf32> to vector<64x1xf32>
    %broadcast_in_dim3A_186 = vector.broadcast %broadcast_in_dim3A_185 : vector<64x1xf32> to vector<64x128xf32>
    %broadcast_in_dim3A_187 = vector.shape_cast %slice3A_182 : vector<64x1xf32> to vector<64x1xf32>
    %broadcast_in_dim3A_188 = vector.broadcast %broadcast_in_dim3A_187 : vector<64x1xf32> to vector<64x128xf32>
    %select_n3A_189 = arith.select %broadcast_in_dim3A_184, %broadcast_in_dim3A_186, %broadcast_in_dim3A_188 : vector<64x128xi1>, vector<64x128xf32>
    %mul3A_190 = vector.broadcast %add3A_111 : vector<1x128xf32> to vector<64x128xf32>
    %mul3A_191 = arith.mulf %select_n3A_189, %mul3A_190 : vector<64x128xf32>
    %swap3A_192 = arith.constant 0 : index
    %swap3A_193 = arith.constant 4 : index
    %swap3A_194 = arith.constant 0 : index
    %swap3A_195 = arith.constant 0 : index
    %swap3A_196 = vector.load %arg7[%swap3A_192, %swap3A_193, %swap3A_194, %swap3A_195] : memref<1x56x64x128xf32, #tpu.memory_space<vmem>>, vector<1x1x64x128xf32>
    %swap3A_197 = vector.shape_cast %swap3A_196 : vector<1x1x64x128xf32> to vector<64x128xf32>
    %swap3A_198 = vector.shape_cast %mul3A_191 : vector<64x128xf32> to vector<1x1x64x128xf32>
    tpu.vector_store %arg7[%swap3A_192, %swap3A_193, %swap3A_194, %swap3A_195], %swap3A_198 {strides = array<i32>} : memref<1x56x64x128xf32, #tpu.memory_space<vmem>>, vector<1x1x64x128xf32>,
    %slice3A_199 = vector.extract_strided_slice %dot_general3A_82 {offsets = [0, 5], sizes = [64, 1], strides = [1, 1]} : vector<64x56xf32> to vector<64x1xf32>
    %slice3A_200 = vector.extract_strided_slice %dot_general3A_84 {offsets = [0, 5], sizes = [64, 1], strides = [1, 1]} : vector<64x56xf32> to vector<64x1xf32>
    %broadcast_in_dim3A_201 = vector.shape_cast %lt3A_87 : vector<1x128xi1> to vector<1x128xi1>
    %broadcast_in_dim3A_202 = vector.broadcast %broadcast_in_dim3A_201 : vector<1x128xi1> to vector<64x128xi1>
    %broadcast_in_dim3A_203 = vector.shape_cast %slice3A_199 : vector<64x1xf32> to vector<64x1xf32>
    %broadcast_in_dim3A_204 = vector.broadcast %broadcast_in_dim3A_203 : vector<64x1xf32> to vector<64x128xf32>
    %broadcast_in_dim3A_205 = vector.shape_cast %slice3A_200 : vector<64x1xf32> to vector<64x1xf32>
    %broadcast_in_dim3A_206 = vector.broadcast %broadcast_in_dim3A_205 : vector<64x1xf32> to vector<64x128xf32>
    %select_n3A_207 = arith.select %broadcast_in_dim3A_202, %broadcast_in_dim3A_204, %broadcast_in_dim3A_206 : vector<64x128xi1>, vector<64x128xf32>
    %mul3A_208 = vector.broadcast %add3A_111 : vector<1x128xf32> to vector<64x128xf32>
    %mul3A_209 = arith.mulf %select_n3A_207, %mul3A_208 : vector<64x128xf32>
    %swap3A_210 = arith.constant 0 : index
    %swap3A_211 = arith.constant 5 : index
    %swap3A_212 = arith.constant 0 : index
    %swap3A_213 = arith.constant 0 : index
    %swap3A_214 = vector.load %arg7[%swap3A_210, %swap3A_211, %swap3A_212, %swap3A_213] : memref<1x56x64x128xf32, #tpu.memory_space<vmem>>, vector<1x1x64x128xf32>
    %swap3A_215 = vector.shape_cast %swap3A_214 : vector<1x1x64x128xf32> to vector<64x128xf32>
    %swap3A_216 = vector.shape_cast %mul3A_209 : vector<64x128xf32> to vector<1x1x64x128xf32>
    tpu.vector_store %arg7[%swap3A_210, %swap3A_211, %swap3A_212, %swap3A_213], %swap3A_216 {strides = array<i32>} : memref<1x56x64x128xf32, #tpu.memory_space<vmem>>, vector<1x1x64x128xf32>,
    %slice3A_217 = vector.extract_strided_slice %dot_general3A_82 {offsets = [0, 6], sizes = [64, 1], strides = [1, 1]} : vector<64x56xf32> to vector<64x1xf32>
    %slice3A_218 = vector.extract_strided_slice %dot_general3A_84 {offsets = [0, 6], sizes = [64, 1], strides = [1, 1]} : vector<64x56xf32> to vector<64x1xf32>
    %broadcast_in_dim3A_219 = vector.shape_cast %lt3A_87 : vector<1x128xi1> to vector<1x128xi1>
    %broadcast_in_dim3A_220 = vector.broadcast %broadcast_in_dim3A_219 : vector<1x128xi1> to vector<64x128xi1>
    %broadcast_in_dim3A_221 = vector.shape_cast %slice3A_217 : vector<64x1xf32> to vector<64x1xf32>
    %broadcast_in_dim3A_222 = vector.broadcast %broadcast_in_dim3A_221 : vector<64x1xf32> to vector<64x128xf32>
    %broadcast_in_dim3A_223 = vector.shape_cast %slice3A_218 : vector<64x1xf32> to vector<64x1xf32>
    %broadcast_in_dim3A_224 = vector.broadcast %broadcast_in_dim3A_223 : vector<64x1xf32> to vector<64x128xf32>
    %select_n3A_225 = arith.select %broadcast_in_dim3A_220, %broadcast_in_dim3A_222, %broadcast_in_dim3A_224 : vector<64x128xi1>, vector<64x128xf32>
    %mul3A_226 = vector.broadcast %add3A_111 : vector<1x128xf32> to vector<64x128xf32>
    %mul3A_227 = arith.mulf %select_n3A_225, %mul3A_226 : vector<64x128xf32>
    %swap3A_228 = arith.constant 0 : index
    %swap3A_229 = arith.constant 6 : index
    %swap3A_230 = arith.constant 0 : index
    %swap3A_231 = arith.constant 0 : index
    %swap3A_232 = vector.load %arg7[%swap3A_228, %swap3A_229, %swap3A_230, %swap3A_231] : memref<1x56x64x128xf32, #tpu.memory_space<vmem>>, vector<1x1x64x128xf32>
    %swap3A_233 = vector.shape_cast %swap3A_232 : vector<1x1x64x128xf32> to vector<64x128xf32>
    %swap3A_234 = vector.shape_cast %mul3A_227 : vector<64x128xf32> to vector<1x1x64x128xf32>
    tpu.vector_store %arg7[%swap3A_228, %swap3A_229, %swap3A_230, %swap3A_231], %swap3A_234 {strides = array<i32>} : memref<1x56x64x128xf32, #tpu.memory_space<vmem>>, vector<1x1x64x128xf32>,
    %slice3A_235 = vector.extract_strided_slice %dot_general3A_82 {offsets = [0, 7], sizes = [64, 1], strides = [1, 1]} : vector<64x56xf32> to vector<64x1xf32>
    %slice3A_236 = vector.extract_strided_slice %dot_general3A_84 {offsets = [0, 7], sizes = [64, 1], strides = [1, 1]} : vector<64x56xf32> to vector<64x1xf32>
    %broadcast_in_dim3A_237 = vector.shape_cast %lt3A_87 : vector<1x128xi1> to vector<1x128xi1>
    %broadcast_in_dim3A_238 = vector.broadcast %broadcast_in_dim3A_237 : vector<1x128xi1> to vector<64x128xi1>
    %broadcast_in_dim3A_239 = vector.shape_cast %slice3A_235 : vector<64x1xf32> to vector<64x1xf32>
    %broadcast_in_dim3A_240 = vector.broadcast %broadcast_in_dim3A_239 : vector<64x1xf32> to vector<64x128xf32>
    %broadcast_in_dim3A_241 = vector.shape_cast %slice3A_236 : vector<64x1xf32> to vector<64x1xf32>
    %broadcast_in_dim3A_242 = vector.broadcast %broadcast_in_dim3A_241 : vector<64x1xf32> to vector<64x128xf32>
    %select_n3A_243 = arith.select %broadcast_in_dim3A_238, %broadcast_in_dim3A_240, %broadcast_in_dim3A_242 : vector<64x128xi1>, vector<64x128xf32>
    %mul3A_244 = vector.broadcast %add3A_111 : vector<1x128xf32> to vector<64x128xf32>
    %mul3A_245 = arith.mulf %select_n3A_243, %mul3A_244 : vector<64x128xf32>
    %swap3A_246 = arith.constant 0 : index
    %swap3A_247 = arith.constant 7 : index
    %swap3A_248 = arith.constant 0 : index
    %swap3A_249 = arith.constant 0 : index
    %swap3A_250 = vector.load %arg7[%swap3A_246, %swap3A_247, %swap3A_248, %swap3A_249] : memref<1x56x64x128xf32, #tpu.memory_space<vmem>>, vector<1x1x64x128xf32>
    %swap3A_251 = vector.shape_cast %swap3A_250 : vector<1x1x64x128xf32> to vector<64x128xf32>
    %swap3A_252 = vector.shape_cast %mul3A_245 : vector<64x128xf32> to vector<1x1x64x128xf32>
    tpu.vector_store %arg7[%swap3A_246, %swap3A_247, %swap3A_248, %swap3A_249], %swap3A_252 {strides = array<i32>} : memref<1x56x64x128xf32, #tpu.memory_space<vmem>>, vector<1x1x64x128xf32>,
    %slice3A_253 = vector.extract_strided_slice %dot_general3A_82 {offsets = [0, 8], sizes = [64, 1], strides = [1, 1]} : vector<64x56xf32> to vector<64x1xf32>
    %slice3A_254 = vector.extract_strided_slice %dot_general3A_84 {offsets = [0, 8], sizes = [64, 1], strides = [1, 1]} : vector<64x56xf32> to vector<64x1xf32>
    %broadcast_in_dim3A_255 = vector.shape_cast %lt3A_87 : vector<1x128xi1> to vector<1x128xi1>
    %broadcast_in_dim3A_256 = vector.broadcast %broadcast_in_dim3A_255 : vector<1x128xi1> to vector<64x128xi1>
    %broadcast_in_dim3A_257 = vector.shape_cast %slice3A_253 : vector<64x1xf32> to vector<64x1xf32>
    %broadcast_in_dim3A_258 = vector.broadcast %broadcast_in_dim3A_257 : vector<64x1xf32> to vector<64x128xf32>
    %broadcast_in_dim3A_259 = vector.shape_cast %slice3A_254 : vector<64x1xf32> to vector<64x1xf32>
    %broadcast_in_dim3A_260 = vector.broadcast %broadcast_in_dim3A_259 : vector<64x1xf32> to vector<64x128xf32>
    %select_n3A_261 = arith.select %broadcast_in_dim3A_256, %broadcast_in_dim3A_258, %broadcast_in_dim3A_260 : vector<64x128xi1>, vector<64x128xf32>
    %mul3A_262 = vector.broadcast %add3A_111 : vector<1x128xf32> to vector<64x128xf32>
    %mul3A_263 = arith.mulf %select_n3A_261, %mul3A_262 : vector<64x128xf32>
    %swap3A_264 = arith.constant 0 : index
    %swap3A_265 = arith.constant 8 : index
    %swap3A_266 = arith.constant 0 : index
    %swap3A_267 = arith.constant 0 : index
    %swap3A_268 = vector.load %arg7[%swap3A_264, %swap3A_265, %swap3A_266, %swap3A_267] : memref<1x56x64x128xf32, #tpu.memory_space<vmem>>, vector<1x1x64x128xf32>
    %swap3A_269 = vector.shape_cast %swap3A_268 : vector<1x1x64x128xf32> to vector<64x128xf32>
    %swap3A_270 = vector.shape_cast %mul3A_263 : vector<64x128xf32> to vector<1x1x64x128xf32>
    tpu.vector_store %arg7[%swap3A_264, %swap3A_265, %swap3A_266, %swap3A_267], %swap3A_270 {strides = array<i32>} : memref<1x56x64x128xf32, #tpu.memory_space<vmem>>, vector<1x1x64x128xf32>,
    %slice3A_271 = vector.extract_strided_slice %dot_general3A_82 {offsets = [0, 9], sizes = [64, 1], strides = [1, 1]} : vector<64x56xf32> to vector<64x1xf32>
    %slice3A_272 = vector.extract_strided_slice %dot_general3A_84 {offsets = [0, 9], sizes = [64, 1], strides = [1, 1]} : vector<64x56xf32> to vector<64x1xf32>
    %broadcast_in_dim3A_273 = vector.shape_cast %lt3A_87 : vector<1x128xi1> to vector<1x128xi1>
    %broadcast_in_dim3A_274 = vector.broadcast %broadcast_in_dim3A_273 : vector<1x128xi1> to vector<64x128xi1>
    %broadcast_in_dim3A_275 = vector.shape_cast %slice3A_271 : vector<64x1xf32> to vector<64x1xf32>
    %broadcast_in_dim3A_276 = vector.broadcast %broadcast_in_dim3A_275 : vector<64x1xf32> to vector<64x128xf32>
    %broadcast_in_dim3A_277 = vector.shape_cast %slice3A_272 : vector<64x1xf32> to vector<64x1xf32>
    %broadcast_in_dim3A_278 = vector.broadcast %broadcast_in_dim3A_277 : vector<64x1xf32> to vector<64x128xf32>
    %select_n3A_279 = arith.select %broadcast_in_dim3A_274, %broadcast_in_dim3A_276, %broadcast_in_dim3A_278 : vector<64x128xi1>, vector<64x128xf32>
    %mul3A_280 = vector.broadcast %add3A_111 : vector<1x128xf32> to vector<64x128xf32>
    %mul3A_281 = arith.mulf %select_n3A_279, %mul3A_280 : vector<64x128xf32>
    %swap3A_282 = arith.constant 0 : index
    %swap3A_283 = arith.constant 9 : index
    %swap3A_284 = arith.constant 0 : index
    %swap3A_285 = arith.constant 0 : index
    %swap3A_286 = vector.load %arg7[%swap3A_282, %swap3A_283, %swap3A_284, %swap3A_285] : memref<1x56x64x128xf32, #tpu.memory_space<vmem>>, vector<1x1x64x128xf32>
    %swap3A_287 = vector.shape_cast %swap3A_286 : vector<1x1x64x128xf32> to vector<64x128xf32>
    %swap3A_288 = vector.shape_cast %mul3A_281 : vector<64x128xf32> to vector<1x1x64x128xf32>
    tpu.vector_store %arg7[%swap3A_282, %swap3A_283, %swap3A_284, %swap3A_285], %swap3A_288 {strides = array<i32>} : memref<1x56x64x128xf32, #tpu.memory_space<vmem>>, vector<1x1x64x128xf32>,
    %slice3A_289 = vector.extract_strided_slice %dot_general3A_82 {offsets = [0, 10], sizes = [64, 1], strides = [1, 1]} : vector<64x56xf32> to vector<64x1xf32>
    %slice3A_290 = vector.extract_strided_slice %dot_general3A_84 {offsets = [0, 10], sizes = [64, 1], strides = [1, 1]} : vector<64x56xf32> to vector<64x1xf32>
    %broadcast_in_dim3A_291 = vector.shape_cast %lt3A_87 : vector<1x128xi1> to vector<1x128xi1>
    %broadcast_in_dim3A_292 = vector.broadcast %broadcast_in_dim3A_291 : vector<1x128xi1> to vector<64x128xi1>
    %broadcast_in_dim3A_293 = vector.shape_cast %slice3A_289 : vector<64x1xf32> to vector<64x1xf32>
    %broadcast_in_dim3A_294 = vector.broadcast %broadcast_in_dim3A_293 : vector<64x1xf32> to vector<64x128xf32>
    %broadcast_in_dim3A_295 = vector.shape_cast %slice3A_290 : vector<64x1xf32> to vector<64x1xf32>
    %broadcast_in_dim3A_296 = vector.broadcast %broadcast_in_dim3A_295 : vector<64x1xf32> to vector<64x128xf32>
    %select_n3A_297 = arith.select %broadcast_in_dim3A_292, %broadcast_in_dim3A_294, %broadcast_in_dim3A_296 : vector<64x128xi1>, vector<64x128xf32>
    %mul3A_298 = vector.broadcast %add3A_111 : vector<1x128xf32> to vector<64x128xf32>
    %mul3A_299 = arith.mulf %select_n3A_297, %mul3A_298 : vector<64x128xf32>
    %swap3A_300 = arith.constant 0 : index
    %swap3A_301 = arith.constant 10 : index
    %swap3A_302 = arith.constant 0 : index
    %swap3A_303 = arith.constant 0 : index
    %swap3A_304 = vector.load %arg7[%swap3A_300, %swap3A_301, %swap3A_302, %swap3A_303] : memref<1x56x64x128xf32, #tpu.memory_space<vmem>>, vector<1x1x64x128xf32>
    %swap3A_305 = vector.shape_cast %swap3A_304 : vector<1x1x64x128xf32> to vector<64x128xf32>
    %swap3A_306 = vector.shape_cast %mul3A_299 : vector<64x128xf32> to vector<1x1x64x128xf32>
    tpu.vector_store %arg7[%swap3A_300, %swap3A_301, %swap3A_302, %swap3A_303], %swap3A_306 {strides = array<i32>} : memref<1x56x64x128xf32, #tpu.memory_space<vmem>>, vector<1x1x64x128xf32>,
    %slice3A_307 = vector.extract_strided_slice %dot_general3A_82 {offsets = [0, 11], sizes = [64, 1], strides = [1, 1]} : vector<64x56xf32> to vector<64x1xf32>
    %slice3A_308 = vector.extract_strided_slice %dot_general3A_84 {offsets = [0, 11], sizes = [64, 1], strides = [1, 1]} : vector<64x56xf32> to vector<64x1xf32>
    %broadcast_in_dim3A_309 = vector.shape_cast %lt3A_87 : vector<1x128xi1> to vector<1x128xi1>
    %broadcast_in_dim3A_310 = vector.broadcast %broadcast_in_dim3A_309 : vector<1x128xi1> to vector<64x128xi1>
    %broadcast_in_dim3A_311 = vector.shape_cast %slice3A_307 : vector<64x1xf32> to vector<64x1xf32>
    %broadcast_in_dim3A_312 = vector.broadcast %broadcast_in_dim3A_311 : vector<64x1xf32> to vector<64x128xf32>
    %broadcast_in_dim3A_313 = vector.shape_cast %slice3A_308 : vector<64x1xf32> to vector<64x1xf32>
    %broadcast_in_dim3A_314 = vector.broadcast %broadcast_in_dim3A_313 : vector<64x1xf32> to vector<64x128xf32>
    %select_n3A_315 = arith.select %broadcast_in_dim3A_310, %broadcast_in_dim3A_312, %broadcast_in_dim3A_314 : vector<64x128xi1>, vector<64x128xf32>
    %mul3A_316 = vector.broadcast %add3A_111 : vector<1x128xf32> to vector<64x128xf32>
    %mul3A_317 = arith.mulf %select_n3A_315, %mul3A_316 : vector<64x128xf32>
    %swap3A_318 = arith.constant 0 : index
    %swap3A_319 = arith.constant 11 : index
    %swap3A_320 = arith.constant 0 : index
    %swap3A_321 = arith.constant 0 : index
    %swap3A_322 = vector.load %arg7[%swap3A_318, %swap3A_319, %swap3A_320, %swap3A_321] : memref<1x56x64x128xf32, #tpu.memory_space<vmem>>, vector<1x1x64x128xf32>
    %swap3A_323 = vector.shape_cast %swap3A_322 : vector<1x1x64x128xf32> to vector<64x128xf32>
    %swap3A_324 = vector.shape_cast %mul3A_317 : vector<64x128xf32> to vector<1x1x64x128xf32>
    tpu.vector_store %arg7[%swap3A_318, %swap3A_319, %swap3A_320, %swap3A_321], %swap3A_324 {strides = array<i32>} : memref<1x56x64x128xf32, #tpu.memory_space<vmem>>, vector<1x1x64x128xf32>,
    %slice3A_325 = vector.extract_strided_slice %dot_general3A_82 {offsets = [0, 12], sizes = [64, 1], strides = [1, 1]} : vector<64x56xf32> to vector<64x1xf32>
    %slice3A_326 = vector.extract_strided_slice %dot_general3A_84 {offsets = [0, 12], sizes = [64, 1], strides = [1, 1]} : vector<64x56xf32> to vector<64x1xf32>
    %broadcast_in_dim3A_327 = vector.shape_cast %lt3A_87 : vector<1x128xi1> to vector<1x128xi1>
    %broadcast_in_dim3A_328 = vector.broadcast %broadcast_in_dim3A_327 : vector<1x128xi1> to vector<64x128xi1>
    %broadcast_in_dim3A_329 = vector.shape_cast %slice3A_325 : vector<64x1xf32> to vector<64x1xf32>
    %broadcast_in_dim3A_330 = vector.broadcast %broadcast_in_dim3A_329 : vector<64x1xf32> to vector<64x128xf32>
    %broadcast_in_dim3A_331 = vector.shape_cast %slice3A_326 : vector<64x1xf32> to vector<64x1xf32>
    %broadcast_in_dim3A_332 = vector.broadcast %broadcast_in_dim3A_331 : vector<64x1xf32> to vector<64x128xf32>
    %select_n3A_333 = arith.select %broadcast_in_dim3A_328, %broadcast_in_dim3A_330, %broadcast_in_dim3A_332 : vector<64x128xi1>, vector<64x128xf32>
    %mul3A_334 = vector.broadcast %add3A_111 : vector<1x128xf32> to vector<64x128xf32>
    %mul3A_335 = arith.mulf %select_n3A_333, %mul3A_334 : vector<64x128xf32>
    %swap3A_336 = arith.constant 0 : index
    %swap3A_337 = arith.constant 12 : index
    %swap3A_338 = arith.constant 0 : index
    %swap3A_339 = arith.constant 0 : index
    %swap3A_340 = vector.load %arg7[%swap3A_336, %swap3A_337, %swap3A_338, %swap3A_339] : memref<1x56x64x128xf32, #tpu.memory_space<vmem>>, vector<1x1x64x128xf32>
    %swap3A_341 = vector.shape_cast %swap3A_340 : vector<1x1x64x128xf32> to vector<64x128xf32>
    %swap3A_342 = vector.shape_cast %mul3A_335 : vector<64x128xf32> to vector<1x1x64x128xf32>
    tpu.vector_store %arg7[%swap3A_336, %swap3A_337, %swap3A_338, %swap3A_339], %swap3A_342 {strides = array<i32>} : memref<1x56x64x128xf32, #tpu.memory_space<vmem>>, vector<1x1x64x128xf32>,
    %slice3A_343 = vector.extract_strided_slice %dot_general3A_82 {offsets = [0, 13], sizes = [64, 1], strides = [1, 1]} : vector<64x56xf32> to vector<64x1xf32>
    %slice3A_344 = vector.extract_strided_slice %dot_general3A_84 {offsets = [0, 13], sizes = [64, 1], strides = [1, 1]} : vector<64x56xf32> to vector<64x1xf32>
    %broadcast_in_dim3A_345 = vector.shape_cast %lt3A_87 : vector<1x128xi1> to vector<1x128xi1>
    %broadcast_in_dim3A_346 = vector.broadcast %broadcast_in_dim3A_345 : vector<1x128xi1> to vector<64x128xi1>
    %broadcast_in_dim3A_347 = vector.shape_cast %slice3A_343 : vector<64x1xf32> to vector<64x1xf32>
    %broadcast_in_dim3A_348 = vector.broadcast %broadcast_in_dim3A_347 : vector<64x1xf32> to vector<64x128xf32>
    %broadcast_in_dim3A_349 = vector.shape_cast %slice3A_344 : vector<64x1xf32> to vector<64x1xf32>
    %broadcast_in_dim3A_350 = vector.broadcast %broadcast_in_dim3A_349 : vector<64x1xf32> to vector<64x128xf32>
    %select_n3A_351 = arith.select %broadcast_in_dim3A_346, %broadcast_in_dim3A_348, %broadcast_in_dim3A_350 : vector<64x128xi1>, vector<64x128xf32>
    %mul3A_352 = vector.broadcast %add3A_111 : vector<1x128xf32> to vector<64x128xf32>
    %mul3A_353 = arith.mulf %select_n3A_351, %mul3A_352 : vector<64x128xf32>
    %swap3A_354 = arith.constant 0 : index
    %swap3A_355 = arith.constant 13 : index
    %swap3A_356 = arith.constant 0 : index
    %swap3A_357 = arith.constant 0 : index
    %swap3A_358 = vector.load %arg7[%swap3A_354, %swap3A_355, %swap3A_356, %swap3A_357] : memref<1x56x64x128xf32, #tpu.memory_space<vmem>>, vector<1x1x64x128xf32>
    %swap3A_359 = vector.shape_cast %swap3A_358 : vector<1x1x64x128xf32> to vector<64x128xf32>
    %swap3A_360 = vector.shape_cast %mul3A_353 : vector<64x128xf32> to vector<1x1x64x128xf32>
    tpu.vector_store %arg7[%swap3A_354, %swap3A_355, %swap3A_356, %swap3A_357], %swap3A_360 {strides = array<i32>} : memref<1x56x64x128xf32, #tpu.memory_space<vmem>>, vector<1x1x64x128xf32>,
    %slice3A_361 = vector.extract_strided_slice %dot_general3A_82 {offsets = [0, 14], sizes = [64, 1], strides = [1, 1]} : vector<64x56xf32> to vector<64x1xf32>
    %slice3A_362 = vector.extract_strided_slice %dot_general3A_84 {offsets = [0, 14], sizes = [64, 1], strides = [1, 1]} : vector<64x56xf32> to vector<64x1xf32>
    %broadcast_in_dim3A_363 = vector.shape_cast %lt3A_87 : vector<1x128xi1> to vector<1x128xi1>
    %broadcast_in_dim3A_364 = vector.broadcast %broadcast_in_dim3A_363 : vector<1x128xi1> to vector<64x128xi1>
    %broadcast_in_dim3A_365 = vector.shape_cast %slice3A_361 : vector<64x1xf32> to vector<64x1xf32>
    %broadcast_in_dim3A_366 = vector.broadcast %broadcast_in_dim3A_365 : vector<64x1xf32> to vector<64x128xf32>
    %broadcast_in_dim3A_367 = vector.shape_cast %slice3A_362 : vector<64x1xf32> to vector<64x1xf32>
    %broadcast_in_dim3A_368 = vector.broadcast %broadcast_in_dim3A_367 : vector<64x1xf32> to vector<64x128xf32>
    %select_n3A_369 = arith.select %broadcast_in_dim3A_364, %broadcast_in_dim3A_366, %broadcast_in_dim3A_368 : vector<64x128xi1>, vector<64x128xf32>
    %mul3A_370 = vector.broadcast %add3A_111 : vector<1x128xf32> to vector<64x128xf32>
    %mul3A_371 = arith.mulf %select_n3A_369, %mul3A_370 : vector<64x128xf32>
    %swap3A_372 = arith.constant 0 : index
    %swap3A_373 = arith.constant 14 : index
    %swap3A_374 = arith.constant 0 : index
    %swap3A_375 = arith.constant 0 : index
    %swap3A_376 = vector.load %arg7[%swap3A_372, %swap3A_373, %swap3A_374, %swap3A_375] : memref<1x56x64x128xf32, #tpu.memory_space<vmem>>, vector<1x1x64x128xf32>
    %swap3A_377 = vector.shape_cast %swap3A_376 : vector<1x1x64x128xf32> to vector<64x128xf32>
    %swap3A_378 = vector.shape_cast %mul3A_371 : vector<64x128xf32> to vector<1x1x64x128xf32>
    tpu.vector_store %arg7[%swap3A_372, %swap3A_373, %swap3A_374, %swap3A_375], %swap3A_378 {strides = array<i32>} : memref<1x56x64x128xf32, #tpu.memory_space<vmem>>, vector<1x1x64x128xf32>,
    %slice3A_379 = vector.extract_strided_slice %dot_general3A_82 {offsets = [0, 15], sizes = [64, 1], strides = [1, 1]} : vector<64x56xf32> to vector<64x1xf32>
    %slice3A_380 = vector.extract_strided_slice %dot_general3A_84 {offsets = [0, 15], sizes = [64, 1], strides = [1, 1]} : vector<64x56xf32> to vector<64x1xf32>
    %broadcast_in_dim3A_381 = vector.shape_cast %lt3A_87 : vector<1x128xi1> to vector<1x128xi1>
    %broadcast_in_dim3A_382 = vector.broadcast %broadcast_in_dim3A_381 : vector<1x128xi1> to vector<64x128xi1>
    %broadcast_in_dim3A_383 = vector.shape_cast %slice3A_379 : vector<64x1xf32> to vector<64x1xf32>
    %broadcast_in_dim3A_384 = vector.broadcast %broadcast_in_dim3A_383 : vector<64x1xf32> to vector<64x128xf32>
    %broadcast_in_dim3A_385 = vector.shape_cast %slice3A_380 : vector<64x1xf32> to vector<64x1xf32>
    %broadcast_in_dim3A_386 = vector.broadcast %broadcast_in_dim3A_385 : vector<64x1xf32> to vector<64x128xf32>
    %select_n3A_387 = arith.select %broadcast_in_dim3A_382, %broadcast_in_dim3A_384, %broadcast_in_dim3A_386 : vector<64x128xi1>, vector<64x128xf32>
    %mul3A_388 = vector.broadcast %add3A_111 : vector<1x128xf32> to vector<64x128xf32>
    %mul3A_389 = arith.mulf %select_n3A_387, %mul3A_388 : vector<64x128xf32>
    %swap3A_390 = arith.constant 0 : index
    %swap3A_391 = arith.constant 15 : index
    %swap3A_392 = arith.constant 0 : index
    %swap3A_393 = arith.constant 0 : index
    %swap3A_394 = vector.load %arg7[%swap3A_390, %swap3A_391, %swap3A_392, %swap3A_393] : memref<1x56x64x128xf32, #tpu.memory_space<vmem>>, vector<1x1x64x128xf32>
    %swap3A_395 = vector.shape_cast %swap3A_394 : vector<1x1x64x128xf32> to vector<64x128xf32>
    %swap3A_396 = vector.shape_cast %mul3A_389 : vector<64x128xf32> to vector<1x1x64x128xf32>
    tpu.vector_store %arg7[%swap3A_390, %swap3A_391, %swap3A_392, %swap3A_393], %swap3A_396 {strides = array<i32>} : memref<1x56x64x128xf32, #tpu.memory_space<vmem>>, vector<1x1x64x128xf32>,
    %slice3A_397 = vector.extract_strided_slice %dot_general3A_82 {offsets = [0, 16], sizes = [64, 1], strides = [1, 1]} : vector<64x56xf32> to vector<64x1xf32>
    %slice3A_398 = vector.extract_strided_slice %dot_general3A_84 {offsets = [0, 16], sizes = [64, 1], strides = [1, 1]} : vector<64x56xf32> to vector<64x1xf32>
    %broadcast_in_dim3A_399 = vector.shape_cast %lt3A_87 : vector<1x128xi1> to vector<1x128xi1>
    %broadcast_in_dim3A_400 = vector.broadcast %broadcast_in_dim3A_399 : vector<1x128xi1> to vector<64x128xi1>
    %broadcast_in_dim3A_401 = vector.shape_cast %slice3A_397 : vector<64x1xf32> to vector<64x1xf32>
    %broadcast_in_dim3A_402 = vector.broadcast %broadcast_in_dim3A_401 : vector<64x1xf32> to vector<64x128xf32>
    %broadcast_in_dim3A_403 = vector.shape_cast %slice3A_398 : vector<64x1xf32> to vector<64x1xf32>
    %broadcast_in_dim3A_404 = vector.broadcast %broadcast_in_dim3A_403 : vector<64x1xf32> to vector<64x128xf32>
    %select_n3A_405 = arith.select %broadcast_in_dim3A_400, %broadcast_in_dim3A_402, %broadcast_in_dim3A_404 : vector<64x128xi1>, vector<64x128xf32>
    %mul3A_406 = vector.broadcast %add3A_111 : vector<1x128xf32> to vector<64x128xf32>
    %mul3A_407 = arith.mulf %select_n3A_405, %mul3A_406 : vector<64x128xf32>
    %swap3A_408 = arith.constant 0 : index
    %swap3A_409 = arith.constant 16 : index
    %swap3A_410 = arith.constant 0 : index
    %swap3A_411 = arith.constant 0 : index
    %swap3A_412 = vector.load %arg7[%swap3A_408, %swap3A_409, %swap3A_410, %swap3A_411] : memref<1x56x64x128xf32, #tpu.memory_space<vmem>>, vector<1x1x64x128xf32>
    %swap3A_413 = vector.shape_cast %swap3A_412 : vector<1x1x64x128xf32> to vector<64x128xf32>
    %swap3A_414 = vector.shape_cast %mul3A_407 : vector<64x128xf32> to vector<1x1x64x128xf32>
    tpu.vector_store %arg7[%swap3A_408, %swap3A_409, %swap3A_410, %swap3A_411], %swap3A_414 {strides = array<i32>} : memref<1x56x64x128xf32, #tpu.memory_space<vmem>>, vector<1x1x64x128xf32>,
    %slice3A_415 = vector.extract_strided_slice %dot_general3A_82 {offsets = [0, 17], sizes = [64, 1], strides = [1, 1]} : vector<64x56xf32> to vector<64x1xf32>
    %slice3A_416 = vector.extract_strided_slice %dot_general3A_84 {offsets = [0, 17], sizes = [64, 1], strides = [1, 1]} : vector<64x56xf32> to vector<64x1xf32>
    %broadcast_in_dim3A_417 = vector.shape_cast %lt3A_87 : vector<1x128xi1> to vector<1x128xi1>
    %broadcast_in_dim3A_418 = vector.broadcast %broadcast_in_dim3A_417 : vector<1x128xi1> to vector<64x128xi1>
    %broadcast_in_dim3A_419 = vector.shape_cast %slice3A_415 : vector<64x1xf32> to vector<64x1xf32>
    %broadcast_in_dim3A_420 = vector.broadcast %broadcast_in_dim3A_419 : vector<64x1xf32> to vector<64x128xf32>
    %broadcast_in_dim3A_421 = vector.shape_cast %slice3A_416 : vector<64x1xf32> to vector<64x1xf32>
    %broadcast_in_dim3A_422 = vector.broadcast %broadcast_in_dim3A_421 : vector<64x1xf32> to vector<64x128xf32>
    %select_n3A_423 = arith.select %broadcast_in_dim3A_418, %broadcast_in_dim3A_420, %broadcast_in_dim3A_422 : vector<64x128xi1>, vector<64x128xf32>
    %mul3A_424 = vector.broadcast %add3A_111 : vector<1x128xf32> to vector<64x128xf32>
    %mul3A_425 = arith.mulf %select_n3A_423, %mul3A_424 : vector<64x128xf32>
    %swap3A_426 = arith.constant 0 : index
    %swap3A_427 = arith.constant 17 : index
    %swap3A_428 = arith.constant 0 : index
    %swap3A_429 = arith.constant 0 : index
    %swap3A_430 = vector.load %arg7[%swap3A_426, %swap3A_427, %swap3A_428, %swap3A_429] : memref<1x56x64x128xf32, #tpu.memory_space<vmem>>, vector<1x1x64x128xf32>
    %swap3A_431 = vector.shape_cast %swap3A_430 : vector<1x1x64x128xf32> to vector<64x128xf32>
    %swap3A_432 = vector.shape_cast %mul3A_425 : vector<64x128xf32> to vector<1x1x64x128xf32>
    tpu.vector_store %arg7[%swap3A_426, %swap3A_427, %swap3A_428, %swap3A_429], %swap3A_432 {strides = array<i32>} : memref<1x56x64x128xf32, #tpu.memory_space<vmem>>, vector<1x1x64x128xf32>,
    %slice3A_433 = vector.extract_strided_slice %dot_general3A_82 {offsets = [0, 18], sizes = [64, 1], strides = [1, 1]} : vector<64x56xf32> to vector<64x1xf32>
    %slice3A_434 = vector.extract_strided_slice %dot_general3A_84 {offsets = [0, 18], sizes = [64, 1], strides = [1, 1]} : vector<64x56xf32> to vector<64x1xf32>
    %broadcast_in_dim3A_435 = vector.shape_cast %lt3A_87 : vector<1x128xi1> to vector<1x128xi1>
    %broadcast_in_dim3A_436 = vector.broadcast %broadcast_in_dim3A_435 : vector<1x128xi1> to vector<64x128xi1>
    %broadcast_in_dim3A_437 = vector.shape_cast %slice3A_433 : vector<64x1xf32> to vector<64x1xf32>
    %broadcast_in_dim3A_438 = vector.broadcast %broadcast_in_dim3A_437 : vector<64x1xf32> to vector<64x128xf32>
    %broadcast_in_dim3A_439 = vector.shape_cast %slice3A_434 : vector<64x1xf32> to vector<64x1xf32>
    %broadcast_in_dim3A_440 = vector.broadcast %broadcast_in_dim3A_439 : vector<64x1xf32> to vector<64x128xf32>
    %select_n3A_441 = arith.select %broadcast_in_dim3A_436, %broadcast_in_dim3A_438, %broadcast_in_dim3A_440 : vector<64x128xi1>, vector<64x128xf32>
    %mul3A_442 = vector.broadcast %add3A_111 : vector<1x128xf32> to vector<64x128xf32>
    %mul3A_443 = arith.mulf %select_n3A_441, %mul3A_442 : vector<64x128xf32>
    %swap3A_444 = arith.constant 0 : index
    %swap3A_445 = arith.constant 18 : index
    %swap3A_446 = arith.constant 0 : index
    %swap3A_447 = arith.constant 0 : index
    %swap3A_448 = vector.load %arg7[%swap3A_444, %swap3A_445, %swap3A_446, %swap3A_447] : memref<1x56x64x128xf32, #tpu.memory_space<vmem>>, vector<1x1x64x128xf32>
    %swap3A_449 = vector.shape_cast %swap3A_448 : vector<1x1x64x128xf32> to vector<64x128xf32>
    %swap3A_450 = vector.shape_cast %mul3A_443 : vector<64x128xf32> to vector<1x1x64x128xf32>
    tpu.vector_store %arg7[%swap3A_444, %swap3A_445, %swap3A_446, %swap3A_447], %swap3A_450 {strides = array<i32>} : memref<1x56x64x128xf32, #tpu.memory_space<vmem>>, vector<1x1x64x128xf32>,
    %slice3A_451 = vector.extract_strided_slice %dot_general3A_82 {offsets = [0, 19], sizes = [64, 1], strides = [1, 1]} : vector<64x56xf32> to vector<64x1xf32>
    %slice3A_452 = vector.extract_strided_slice %dot_general3A_84 {offsets = [0, 19], sizes = [64, 1], strides = [1, 1]} : vector<64x56xf32> to vector<64x1xf32>
    %broadcast_in_dim3A_453 = vector.shape_cast %lt3A_87 : vector<1x128xi1> to vector<1x128xi1>
    %broadcast_in_dim3A_454 = vector.broadcast %broadcast_in_dim3A_453 : vector<1x128xi1> to vector<64x128xi1>
    %broadcast_in_dim3A_455 = vector.shape_cast %slice3A_451 : vector<64x1xf32> to vector<64x1xf32>
    %broadcast_in_dim3A_456 = vector.broadcast %broadcast_in_dim3A_455 : vector<64x1xf32> to vector<64x128xf32>
    %broadcast_in_dim3A_457 = vector.shape_cast %slice3A_452 : vector<64x1xf32> to vector<64x1xf32>
    %broadcast_in_dim3A_458 = vector.broadcast %broadcast_in_dim3A_457 : vector<64x1xf32> to vector<64x128xf32>
    %select_n3A_459 = arith.select %broadcast_in_dim3A_454, %broadcast_in_dim3A_456, %broadcast_in_dim3A_458 : vector<64x128xi1>, vector<64x128xf32>
    %mul3A_460 = vector.broadcast %add3A_111 : vector<1x128xf32> to vector<64x128xf32>
    %mul3A_461 = arith.mulf %select_n3A_459, %mul3A_460 : vector<64x128xf32>
    %swap3A_462 = arith.constant 0 : index
    %swap3A_463 = arith.constant 19 : index
    %swap3A_464 = arith.constant 0 : index
    %swap3A_465 = arith.constant 0 : index
    %swap3A_466 = vector.load %arg7[%swap3A_462, %swap3A_463, %swap3A_464, %swap3A_465] : memref<1x56x64x128xf32, #tpu.memory_space<vmem>>, vector<1x1x64x128xf32>
    %swap3A_467 = vector.shape_cast %swap3A_466 : vector<1x1x64x128xf32> to vector<64x128xf32>
    %swap3A_468 = vector.shape_cast %mul3A_461 : vector<64x128xf32> to vector<1x1x64x128xf32>
    tpu.vector_store %arg7[%swap3A_462, %swap3A_463, %swap3A_464, %swap3A_465], %swap3A_468 {strides = array<i32>} : memref<1x56x64x128xf32, #tpu.memory_space<vmem>>, vector<1x1x64x128xf32>,
    %slice3A_469 = vector.extract_strided_slice %dot_general3A_82 {offsets = [0, 20], sizes = [64, 1], strides = [1, 1]} : vector<64x56xf32> to vector<64x1xf32>
    %slice3A_470 = vector.extract_strided_slice %dot_general3A_84 {offsets = [0, 20], sizes = [64, 1], strides = [1, 1]} : vector<64x56xf32> to vector<64x1xf32>
    %broadcast_in_dim3A_471 = vector.shape_cast %lt3A_87 : vector<1x128xi1> to vector<1x128xi1>
    %broadcast_in_dim3A_472 = vector.broadcast %broadcast_in_dim3A_471 : vector<1x128xi1> to vector<64x128xi1>
    %broadcast_in_dim3A_473 = vector.shape_cast %slice3A_469 : vector<64x1xf32> to vector<64x1xf32>
    %broadcast_in_dim3A_474 = vector.broadcast %broadcast_in_dim3A_473 : vector<64x1xf32> to vector<64x128xf32>
    %broadcast_in_dim3A_475 = vector.shape_cast %slice3A_470 : vector<64x1xf32> to vector<64x1xf32>
    %broadcast_in_dim3A_476 = vector.broadcast %broadcast_in_dim3A_475 : vector<64x1xf32> to vector<64x128xf32>
    %select_n3A_477 = arith.select %broadcast_in_dim3A_472, %broadcast_in_dim3A_474, %broadcast_in_dim3A_476 : vector<64x128xi1>, vector<64x128xf32>
    %mul3A_478 = vector.broadcast %add3A_111 : vector<1x128xf32> to vector<64x128xf32>
    %mul3A_479 = arith.mulf %select_n3A_477, %mul3A_478 : vector<64x128xf32>
    %swap3A_480 = arith.constant 0 : index
    %swap3A_481 = arith.constant 20 : index
    %swap3A_482 = arith.constant 0 : index
    %swap3A_483 = arith.constant 0 : index
    %swap3A_484 = vector.load %arg7[%swap3A_480, %swap3A_481, %swap3A_482, %swap3A_483] : memref<1x56x64x128xf32, #tpu.memory_space<vmem>>, vector<1x1x64x128xf32>
    %swap3A_485 = vector.shape_cast %swap3A_484 : vector<1x1x64x128xf32> to vector<64x128xf32>
    %swap3A_486 = vector.shape_cast %mul3A_479 : vector<64x128xf32> to vector<1x1x64x128xf32>
    tpu.vector_store %arg7[%swap3A_480, %swap3A_481, %swap3A_482, %swap3A_483], %swap3A_486 {strides = array<i32>} : memref<1x56x64x128xf32, #tpu.memory_space<vmem>>, vector<1x1x64x128xf32>,
    %slice3A_487 = vector.extract_strided_slice %dot_general3A_82 {offsets = [0, 21], sizes = [64, 1], strides = [1, 1]} : vector<64x56xf32> to vector<64x1xf32>
    %slice3A_488 = vector.extract_strided_slice %dot_general3A_84 {offsets = [0, 21], sizes = [64, 1], strides = [1, 1]} : vector<64x56xf32> to vector<64x1xf32>
    %broadcast_in_dim3A_489 = vector.shape_cast %lt3A_87 : vector<1x128xi1> to vector<1x128xi1>
    %broadcast_in_dim3A_490 = vector.broadcast %broadcast_in_dim3A_489 : vector<1x128xi1> to vector<64x128xi1>
    %broadcast_in_dim3A_491 = vector.shape_cast %slice3A_487 : vector<64x1xf32> to vector<64x1xf32>
    %broadcast_in_dim3A_492 = vector.broadcast %broadcast_in_dim3A_491 : vector<64x1xf32> to vector<64x128xf32>
    %broadcast_in_dim3A_493 = vector.shape_cast %slice3A_488 : vector<64x1xf32> to vector<64x1xf32>
    %broadcast_in_dim3A_494 = vector.broadcast %broadcast_in_dim3A_493 : vector<64x1xf32> to vector<64x128xf32>
    %select_n3A_495 = arith.select %broadcast_in_dim3A_490, %broadcast_in_dim3A_492, %broadcast_in_dim3A_494 : vector<64x128xi1>, vector<64x128xf32>
    %mul3A_496 = vector.broadcast %add3A_111 : vector<1x128xf32> to vector<64x128xf32>
    %mul3A_497 = arith.mulf %select_n3A_495, %mul3A_496 : vector<64x128xf32>
    %swap3A_498 = arith.constant 0 : index
    %swap3A_499 = arith.constant 21 : index
    %swap3A_500 = arith.constant 0 : index
    %swap3A_501 = arith.constant 0 : index
    %swap3A_502 = vector.load %arg7[%swap3A_498, %swap3A_499, %swap3A_500, %swap3A_501] : memref<1x56x64x128xf32, #tpu.memory_space<vmem>>, vector<1x1x64x128xf32>
    %swap3A_503 = vector.shape_cast %swap3A_502 : vector<1x1x64x128xf32> to vector<64x128xf32>
    %swap3A_504 = vector.shape_cast %mul3A_497 : vector<64x128xf32> to vector<1x1x64x128xf32>
    tpu.vector_store %arg7[%swap3A_498, %swap3A_499, %swap3A_500, %swap3A_501], %swap3A_504 {strides = array<i32>} : memref<1x56x64x128xf32, #tpu.memory_space<vmem>>, vector<1x1x64x128xf32>,
    %slice3A_505 = vector.extract_strided_slice %dot_general3A_82 {offsets = [0, 22], sizes = [64, 1], strides = [1, 1]} : vector<64x56xf32> to vector<64x1xf32>
    %slice3A_506 = vector.extract_strided_slice %dot_general3A_84 {offsets = [0, 22], sizes = [64, 1], strides = [1, 1]} : vector<64x56xf32> to vector<64x1xf32>
    %broadcast_in_dim3A_507 = vector.shape_cast %lt3A_87 : vector<1x128xi1> to vector<1x128xi1>
    %broadcast_in_dim3A_508 = vector.broadcast %broadcast_in_dim3A_507 : vector<1x128xi1> to vector<64x128xi1>
    %broadcast_in_dim3A_509 = vector.shape_cast %slice3A_505 : vector<64x1xf32> to vector<64x1xf32>
    %broadcast_in_dim3A_510 = vector.broadcast %broadcast_in_dim3A_509 : vector<64x1xf32> to vector<64x128xf32>
    %broadcast_in_dim3A_511 = vector.shape_cast %slice3A_506 : vector<64x1xf32> to vector<64x1xf32>
    %broadcast_in_dim3A_512 = vector.broadcast %broadcast_in_dim3A_511 : vector<64x1xf32> to vector<64x128xf32>
    %select_n3A_513 = arith.select %broadcast_in_dim3A_508, %broadcast_in_dim3A_510, %broadcast_in_dim3A_512 : vector<64x128xi1>, vector<64x128xf32>
    %mul3A_514 = vector.broadcast %add3A_111 : vector<1x128xf32> to vector<64x128xf32>
    %mul3A_515 = arith.mulf %select_n3A_513, %mul3A_514 : vector<64x128xf32>
    %swap3A_516 = arith.constant 0 : index
    %swap3A_517 = arith.constant 22 : index
    %swap3A_518 = arith.constant 0 : index
    %swap3A_519 = arith.constant 0 : index
    %swap3A_520 = vector.load %arg7[%swap3A_516, %swap3A_517, %swap3A_518, %swap3A_519] : memref<1x56x64x128xf32, #tpu.memory_space<vmem>>, vector<1x1x64x128xf32>
    %swap3A_521 = vector.shape_cast %swap3A_520 : vector<1x1x64x128xf32> to vector<64x128xf32>
    %swap3A_522 = vector.shape_cast %mul3A_515 : vector<64x128xf32> to vector<1x1x64x128xf32>
    tpu.vector_store %arg7[%swap3A_516, %swap3A_517, %swap3A_518, %swap3A_519], %swap3A_522 {strides = array<i32>} : memref<1x56x64x128xf32, #tpu.memory_space<vmem>>, vector<1x1x64x128xf32>,
    %slice3A_523 = vector.extract_strided_slice %dot_general3A_82 {offsets = [0, 23], sizes = [64, 1], strides = [1, 1]} : vector<64x56xf32> to vector<64x1xf32>
    %slice3A_524 = vector.extract_strided_slice %dot_general3A_84 {offsets = [0, 23], sizes = [64, 1], strides = [1, 1]} : vector<64x56xf32> to vector<64x1xf32>
    %broadcast_in_dim3A_525 = vector.shape_cast %lt3A_87 : vector<1x128xi1> to vector<1x128xi1>
    %broadcast_in_dim3A_526 = vector.broadcast %broadcast_in_dim3A_525 : vector<1x128xi1> to vector<64x128xi1>
    %broadcast_in_dim3A_527 = vector.shape_cast %slice3A_523 : vector<64x1xf32> to vector<64x1xf32>
    %broadcast_in_dim3A_528 = vector.broadcast %broadcast_in_dim3A_527 : vector<64x1xf32> to vector<64x128xf32>
    %broadcast_in_dim3A_529 = vector.shape_cast %slice3A_524 : vector<64x1xf32> to vector<64x1xf32>
    %broadcast_in_dim3A_530 = vector.broadcast %broadcast_in_dim3A_529 : vector<64x1xf32> to vector<64x128xf32>
    %select_n3A_531 = arith.select %broadcast_in_dim3A_526, %broadcast_in_dim3A_528, %broadcast_in_dim3A_530 : vector<64x128xi1>, vector<64x128xf32>
    %mul3A_532 = vector.broadcast %add3A_111 : vector<1x128xf32> to vector<64x128xf32>
    %mul3A_533 = arith.mulf %select_n3A_531, %mul3A_532 : vector<64x128xf32>
    %swap3A_534 = arith.constant 0 : index
    %swap3A_535 = arith.constant 23 : index
    %swap3A_536 = arith.constant 0 : index
    %swap3A_537 = arith.constant 0 : index
    %swap3A_538 = vector.load %arg7[%swap3A_534, %swap3A_535, %swap3A_536, %swap3A_537] : memref<1x56x64x128xf32, #tpu.memory_space<vmem>>, vector<1x1x64x128xf32>
    %swap3A_539 = vector.shape_cast %swap3A_538 : vector<1x1x64x128xf32> to vector<64x128xf32>
    %swap3A_540 = vector.shape_cast %mul3A_533 : vector<64x128xf32> to vector<1x1x64x128xf32>
    tpu.vector_store %arg7[%swap3A_534, %swap3A_535, %swap3A_536, %swap3A_537], %swap3A_540 {strides = array<i32>} : memref<1x56x64x128xf32, #tpu.memory_space<vmem>>, vector<1x1x64x128xf32>,
    %slice3A_541 = vector.extract_strided_slice %dot_general3A_82 {offsets = [0, 24], sizes = [64, 1], strides = [1, 1]} : vector<64x56xf32> to vector<64x1xf32>
    %slice3A_542 = vector.extract_strided_slice %dot_general3A_84 {offsets = [0, 24], sizes = [64, 1], strides = [1, 1]} : vector<64x56xf32> to vector<64x1xf32>
    %broadcast_in_dim3A_543 = vector.shape_cast %lt3A_87 : vector<1x128xi1> to vector<1x128xi1>
    %broadcast_in_dim3A_544 = vector.broadcast %broadcast_in_dim3A_543 : vector<1x128xi1> to vector<64x128xi1>
    %broadcast_in_dim3A_545 = vector.shape_cast %slice3A_541 : vector<64x1xf32> to vector<64x1xf32>
    %broadcast_in_dim3A_546 = vector.broadcast %broadcast_in_dim3A_545 : vector<64x1xf32> to vector<64x128xf32>
    %broadcast_in_dim3A_547 = vector.shape_cast %slice3A_542 : vector<64x1xf32> to vector<64x1xf32>
    %broadcast_in_dim3A_548 = vector.broadcast %broadcast_in_dim3A_547 : vector<64x1xf32> to vector<64x128xf32>
    %select_n3A_549 = arith.select %broadcast_in_dim3A_544, %broadcast_in_dim3A_546, %broadcast_in_dim3A_548 : vector<64x128xi1>, vector<64x128xf32>
    %mul3A_550 = vector.broadcast %add3A_111 : vector<1x128xf32> to vector<64x128xf32>
    %mul3A_551 = arith.mulf %select_n3A_549, %mul3A_550 : vector<64x128xf32>
    %swap3A_552 = arith.constant 0 : index
    %swap3A_553 = arith.constant 24 : index
    %swap3A_554 = arith.constant 0 : index
    %swap3A_555 = arith.constant 0 : index
    %swap3A_556 = vector.load %arg7[%swap3A_552, %swap3A_553, %swap3A_554, %swap3A_555] : memref<1x56x64x128xf32, #tpu.memory_space<vmem>>, vector<1x1x64x128xf32>
    %swap3A_557 = vector.shape_cast %swap3A_556 : vector<1x1x64x128xf32> to vector<64x128xf32>
    %swap3A_558 = vector.shape_cast %mul3A_551 : vector<64x128xf32> to vector<1x1x64x128xf32>
    tpu.vector_store %arg7[%swap3A_552, %swap3A_553, %swap3A_554, %swap3A_555], %swap3A_558 {strides = array<i32>} : memref<1x56x64x128xf32, #tpu.memory_space<vmem>>, vector<1x1x64x128xf32>,
    %slice3A_559 = vector.extract_strided_slice %dot_general3A_82 {offsets = [0, 25], sizes = [64, 1], strides = [1, 1]} : vector<64x56xf32> to vector<64x1xf32>
    %slice3A_560 = vector.extract_strided_slice %dot_general3A_84 {offsets = [0, 25], sizes = [64, 1], strides = [1, 1]} : vector<64x56xf32> to vector<64x1xf32>
    %broadcast_in_dim3A_561 = vector.shape_cast %lt3A_87 : vector<1x128xi1> to vector<1x128xi1>
    %broadcast_in_dim3A_562 = vector.broadcast %broadcast_in_dim3A_561 : vector<1x128xi1> to vector<64x128xi1>
    %broadcast_in_dim3A_563 = vector.shape_cast %slice3A_559 : vector<64x1xf32> to vector<64x1xf32>
    %broadcast_in_dim3A_564 = vector.broadcast %broadcast_in_dim3A_563 : vector<64x1xf32> to vector<64x128xf32>
    %broadcast_in_dim3A_565 = vector.shape_cast %slice3A_560 : vector<64x1xf32> to vector<64x1xf32>
    %broadcast_in_dim3A_566 = vector.broadcast %broadcast_in_dim3A_565 : vector<64x1xf32> to vector<64x128xf32>
    %select_n3A_567 = arith.select %broadcast_in_dim3A_562, %broadcast_in_dim3A_564, %broadcast_in_dim3A_566 : vector<64x128xi1>, vector<64x128xf32>
    %mul3A_568 = vector.broadcast %add3A_111 : vector<1x128xf32> to vector<64x128xf32>
    %mul3A_569 = arith.mulf %select_n3A_567, %mul3A_568 : vector<64x128xf32>
    %swap3A_570 = arith.constant 0 : index
    %swap3A_571 = arith.constant 25 : index
    %swap3A_572 = arith.constant 0 : index
    %swap3A_573 = arith.constant 0 : index
    %swap3A_574 = vector.load %arg7[%swap3A_570, %swap3A_571, %swap3A_572, %swap3A_573] : memref<1x56x64x128xf32, #tpu.memory_space<vmem>>, vector<1x1x64x128xf32>
    %swap3A_575 = vector.shape_cast %swap3A_574 : vector<1x1x64x128xf32> to vector<64x128xf32>
    %swap3A_576 = vector.shape_cast %mul3A_569 : vector<64x128xf32> to vector<1x1x64x128xf32>
    tpu.vector_store %arg7[%swap3A_570, %swap3A_571, %swap3A_572, %swap3A_573], %swap3A_576 {strides = array<i32>} : memref<1x56x64x128xf32, #tpu.memory_space<vmem>>, vector<1x1x64x128xf32>,
    %slice3A_577 = vector.extract_strided_slice %dot_general3A_82 {offsets = [0, 26], sizes = [64, 1], strides = [1, 1]} : vector<64x56xf32> to vector<64x1xf32>
    %slice3A_578 = vector.extract_strided_slice %dot_general3A_84 {offsets = [0, 26], sizes = [64, 1], strides = [1, 1]} : vector<64x56xf32> to vector<64x1xf32>
    %broadcast_in_dim3A_579 = vector.shape_cast %lt3A_87 : vector<1x128xi1> to vector<1x128xi1>
    %broadcast_in_dim3A_580 = vector.broadcast %broadcast_in_dim3A_579 : vector<1x128xi1> to vector<64x128xi1>
    %broadcast_in_dim3A_581 = vector.shape_cast %slice3A_577 : vector<64x1xf32> to vector<64x1xf32>
    %broadcast_in_dim3A_582 = vector.broadcast %broadcast_in_dim3A_581 : vector<64x1xf32> to vector<64x128xf32>
    %broadcast_in_dim3A_583 = vector.shape_cast %slice3A_578 : vector<64x1xf32> to vector<64x1xf32>
    %broadcast_in_dim3A_584 = vector.broadcast %broadcast_in_dim3A_583 : vector<64x1xf32> to vector<64x128xf32>
    %select_n3A_585 = arith.select %broadcast_in_dim3A_580, %broadcast_in_dim3A_582, %broadcast_in_dim3A_584 : vector<64x128xi1>, vector<64x128xf32>
    %mul3A_586 = vector.broadcast %add3A_111 : vector<1x128xf32> to vector<64x128xf32>
    %mul3A_587 = arith.mulf %select_n3A_585, %mul3A_586 : vector<64x128xf32>
    %swap3A_588 = arith.constant 0 : index
    %swap3A_589 = arith.constant 26 : index
    %swap3A_590 = arith.constant 0 : index
    %swap3A_591 = arith.constant 0 : index
    %swap3A_592 = vector.load %arg7[%swap3A_588, %swap3A_589, %swap3A_590, %swap3A_591] : memref<1x56x64x128xf32, #tpu.memory_space<vmem>>, vector<1x1x64x128xf32>
    %swap3A_593 = vector.shape_cast %swap3A_592 : vector<1x1x64x128xf32> to vector<64x128xf32>
    %swap3A_594 = vector.shape_cast %mul3A_587 : vector<64x128xf32> to vector<1x1x64x128xf32>
    tpu.vector_store %arg7[%swap3A_588, %swap3A_589, %swap3A_590, %swap3A_591], %swap3A_594 {strides = array<i32>} : memref<1x56x64x128xf32, #tpu.memory_space<vmem>>, vector<1x1x64x128xf32>,
    %slice3A_595 = vector.extract_strided_slice %dot_general3A_82 {offsets = [0, 27], sizes = [64, 1], strides = [1, 1]} : vector<64x56xf32> to vector<64x1xf32>
    %slice3A_596 = vector.extract_strided_slice %dot_general3A_84 {offsets = [0, 27], sizes = [64, 1], strides = [1, 1]} : vector<64x56xf32> to vector<64x1xf32>
    %broadcast_in_dim3A_597 = vector.shape_cast %lt3A_87 : vector<1x128xi1> to vector<1x128xi1>
    %broadcast_in_dim3A_598 = vector.broadcast %broadcast_in_dim3A_597 : vector<1x128xi1> to vector<64x128xi1>
    %broadcast_in_dim3A_599 = vector.shape_cast %slice3A_595 : vector<64x1xf32> to vector<64x1xf32>
    %broadcast_in_dim3A_600 = vector.broadcast %broadcast_in_dim3A_599 : vector<64x1xf32> to vector<64x128xf32>
    %broadcast_in_dim3A_601 = vector.shape_cast %slice3A_596 : vector<64x1xf32> to vector<64x1xf32>
    %broadcast_in_dim3A_602 = vector.broadcast %broadcast_in_dim3A_601 : vector<64x1xf32> to vector<64x128xf32>
    %select_n3A_603 = arith.select %broadcast_in_dim3A_598, %broadcast_in_dim3A_600, %broadcast_in_dim3A_602 : vector<64x128xi1>, vector<64x128xf32>
    %mul3A_604 = vector.broadcast %add3A_111 : vector<1x128xf32> to vector<64x128xf32>
    %mul3A_605 = arith.mulf %select_n3A_603, %mul3A_604 : vector<64x128xf32>
    %swap3A_606 = arith.constant 0 : index
    %swap3A_607 = arith.constant 27 : index
    %swap3A_608 = arith.constant 0 : index
    %swap3A_609 = arith.constant 0 : index
    %swap3A_610 = vector.load %arg7[%swap3A_606, %swap3A_607, %swap3A_608, %swap3A_609] : memref<1x56x64x128xf32, #tpu.memory_space<vmem>>, vector<1x1x64x128xf32>
    %swap3A_611 = vector.shape_cast %swap3A_610 : vector<1x1x64x128xf32> to vector<64x128xf32>
    %swap3A_612 = vector.shape_cast %mul3A_605 : vector<64x128xf32> to vector<1x1x64x128xf32>
    tpu.vector_store %arg7[%swap3A_606, %swap3A_607, %swap3A_608, %swap3A_609], %swap3A_612 {strides = array<i32>} : memref<1x56x64x128xf32, #tpu.memory_space<vmem>>, vector<1x1x64x128xf32>,
    %slice3A_613 = vector.extract_strided_slice %dot_general3A_82 {offsets = [0, 28], sizes = [64, 1], strides = [1, 1]} : vector<64x56xf32> to vector<64x1xf32>
    %slice3A_614 = vector.extract_strided_slice %dot_general3A_84 {offsets = [0, 28], sizes = [64, 1], strides = [1, 1]} : vector<64x56xf32> to vector<64x1xf32>
    %broadcast_in_dim3A_615 = vector.shape_cast %lt3A_87 : vector<1x128xi1> to vector<1x128xi1>
    %broadcast_in_dim3A_616 = vector.broadcast %broadcast_in_dim3A_615 : vector<1x128xi1> to vector<64x128xi1>
    %broadcast_in_dim3A_617 = vector.shape_cast %slice3A_613 : vector<64x1xf32> to vector<64x1xf32>
    %broadcast_in_dim3A_618 = vector.broadcast %broadcast_in_dim3A_617 : vector<64x1xf32> to vector<64x128xf32>
    %broadcast_in_dim3A_619 = vector.shape_cast %slice3A_614 : vector<64x1xf32> to vector<64x1xf32>
    %broadcast_in_dim3A_620 = vector.broadcast %broadcast_in_dim3A_619 : vector<64x1xf32> to vector<64x128xf32>
    %select_n3A_621 = arith.select %broadcast_in_dim3A_616, %broadcast_in_dim3A_618, %broadcast_in_dim3A_620 : vector<64x128xi1>, vector<64x128xf32>
    %mul3A_622 = vector.broadcast %add3A_111 : vector<1x128xf32> to vector<64x128xf32>
    %mul3A_623 = arith.mulf %select_n3A_621, %mul3A_622 : vector<64x128xf32>
    %swap3A_624 = arith.constant 0 : index
    %swap3A_625 = arith.constant 28 : index
    %swap3A_626 = arith.constant 0 : index
    %swap3A_627 = arith.constant 0 : index
    %swap3A_628 = vector.load %arg7[%swap3A_624, %swap3A_625, %swap3A_626, %swap3A_627] : memref<1x56x64x128xf32, #tpu.memory_space<vmem>>, vector<1x1x64x128xf32>
    %swap3A_629 = vector.shape_cast %swap3A_628 : vector<1x1x64x128xf32> to vector<64x128xf32>
    %swap3A_630 = vector.shape_cast %mul3A_623 : vector<64x128xf32> to vector<1x1x64x128xf32>
    tpu.vector_store %arg7[%swap3A_624, %swap3A_625, %swap3A_626, %swap3A_627], %swap3A_630 {strides = array<i32>} : memref<1x56x64x128xf32, #tpu.memory_space<vmem>>, vector<1x1x64x128xf32>,
    %slice3A_631 = vector.extract_strided_slice %dot_general3A_82 {offsets = [0, 29], sizes = [64, 1], strides = [1, 1]} : vector<64x56xf32> to vector<64x1xf32>
    %slice3A_632 = vector.extract_strided_slice %dot_general3A_84 {offsets = [0, 29], sizes = [64, 1], strides = [1, 1]} : vector<64x56xf32> to vector<64x1xf32>
    %broadcast_in_dim3A_633 = vector.shape_cast %lt3A_87 : vector<1x128xi1> to vector<1x128xi1>
    %broadcast_in_dim3A_634 = vector.broadcast %broadcast_in_dim3A_633 : vector<1x128xi1> to vector<64x128xi1>
    %broadcast_in_dim3A_635 = vector.shape_cast %slice3A_631 : vector<64x1xf32> to vector<64x1xf32>
    %broadcast_in_dim3A_636 = vector.broadcast %broadcast_in_dim3A_635 : vector<64x1xf32> to vector<64x128xf32>
    %broadcast_in_dim3A_637 = vector.shape_cast %slice3A_632 : vector<64x1xf32> to vector<64x1xf32>
    %broadcast_in_dim3A_638 = vector.broadcast %broadcast_in_dim3A_637 : vector<64x1xf32> to vector<64x128xf32>
    %select_n3A_639 = arith.select %broadcast_in_dim3A_634, %broadcast_in_dim3A_636, %broadcast_in_dim3A_638 : vector<64x128xi1>, vector<64x128xf32>
    %mul3A_640 = vector.broadcast %add3A_111 : vector<1x128xf32> to vector<64x128xf32>
    %mul3A_641 = arith.mulf %select_n3A_639, %mul3A_640 : vector<64x128xf32>
    %swap3A_642 = arith.constant 0 : index
    %swap3A_643 = arith.constant 29 : index
    %swap3A_644 = arith.constant 0 : index
    %swap3A_645 = arith.constant 0 : index
    %swap3A_646 = vector.load %arg7[%swap3A_642, %swap3A_643, %swap3A_644, %swap3A_645] : memref<1x56x64x128xf32, #tpu.memory_space<vmem>>, vector<1x1x64x128xf32>
    %swap3A_647 = vector.shape_cast %swap3A_646 : vector<1x1x64x128xf32> to vector<64x128xf32>
    %swap3A_648 = vector.shape_cast %mul3A_641 : vector<64x128xf32> to vector<1x1x64x128xf32>
    tpu.vector_store %arg7[%swap3A_642, %swap3A_643, %swap3A_644, %swap3A_645], %swap3A_648 {strides = array<i32>} : memref<1x56x64x128xf32, #tpu.memory_space<vmem>>, vector<1x1x64x128xf32>,
    %slice3A_649 = vector.extract_strided_slice %dot_general3A_82 {offsets = [0, 30], sizes = [64, 1], strides = [1, 1]} : vector<64x56xf32> to vector<64x1xf32>
    %slice3A_650 = vector.extract_strided_slice %dot_general3A_84 {offsets = [0, 30], sizes = [64, 1], strides = [1, 1]} : vector<64x56xf32> to vector<64x1xf32>
    %broadcast_in_dim3A_651 = vector.shape_cast %lt3A_87 : vector<1x128xi1> to vector<1x128xi1>
    %broadcast_in_dim3A_652 = vector.broadcast %broadcast_in_dim3A_651 : vector<1x128xi1> to vector<64x128xi1>
    %broadcast_in_dim3A_653 = vector.shape_cast %slice3A_649 : vector<64x1xf32> to vector<64x1xf32>
    %broadcast_in_dim3A_654 = vector.broadcast %broadcast_in_dim3A_653 : vector<64x1xf32> to vector<64x128xf32>
    %broadcast_in_dim3A_655 = vector.shape_cast %slice3A_650 : vector<64x1xf32> to vector<64x1xf32>
    %broadcast_in_dim3A_656 = vector.broadcast %broadcast_in_dim3A_655 : vector<64x1xf32> to vector<64x128xf32>
    %select_n3A_657 = arith.select %broadcast_in_dim3A_652, %broadcast_in_dim3A_654, %broadcast_in_dim3A_656 : vector<64x128xi1>, vector<64x128xf32>
    %mul3A_658 = vector.broadcast %add3A_111 : vector<1x128xf32> to vector<64x128xf32>
    %mul3A_659 = arith.mulf %select_n3A_657, %mul3A_658 : vector<64x128xf32>
    %swap3A_660 = arith.constant 0 : index
    %swap3A_661 = arith.constant 30 : index
    %swap3A_662 = arith.constant 0 : index
    %swap3A_663 = arith.constant 0 : index
    %swap3A_664 = vector.load %arg7[%swap3A_660, %swap3A_661, %swap3A_662, %swap3A_663] : memref<1x56x64x128xf32, #tpu.memory_space<vmem>>, vector<1x1x64x128xf32>
    %swap3A_665 = vector.shape_cast %swap3A_664 : vector<1x1x64x128xf32> to vector<64x128xf32>
    %swap3A_666 = vector.shape_cast %mul3A_659 : vector<64x128xf32> to vector<1x1x64x128xf32>
    tpu.vector_store %arg7[%swap3A_660, %swap3A_661, %swap3A_662, %swap3A_663], %swap3A_666 {strides = array<i32>} : memref<1x56x64x128xf32, #tpu.memory_space<vmem>>, vector<1x1x64x128xf32>,
    %slice3A_667 = vector.extract_strided_slice %dot_general3A_82 {offsets = [0, 31], sizes = [64, 1], strides = [1, 1]} : vector<64x56xf32> to vector<64x1xf32>
    %slice3A_668 = vector.extract_strided_slice %dot_general3A_84 {offsets = [0, 31], sizes = [64, 1], strides = [1, 1]} : vector<64x56xf32> to vector<64x1xf32>
    %broadcast_in_dim3A_669 = vector.shape_cast %lt3A_87 : vector<1x128xi1> to vector<1x128xi1>
    %broadcast_in_dim3A_670 = vector.broadcast %broadcast_in_dim3A_669 : vector<1x128xi1> to vector<64x128xi1>
    %broadcast_in_dim3A_671 = vector.shape_cast %slice3A_667 : vector<64x1xf32> to vector<64x1xf32>
    %broadcast_in_dim3A_672 = vector.broadcast %broadcast_in_dim3A_671 : vector<64x1xf32> to vector<64x128xf32>
    %broadcast_in_dim3A_673 = vector.shape_cast %slice3A_668 : vector<64x1xf32> to vector<64x1xf32>
    %broadcast_in_dim3A_674 = vector.broadcast %broadcast_in_dim3A_673 : vector<64x1xf32> to vector<64x128xf32>
    %select_n3A_675 = arith.select %broadcast_in_dim3A_670, %broadcast_in_dim3A_672, %broadcast_in_dim3A_674 : vector<64x128xi1>, vector<64x128xf32>
    %mul3A_676 = vector.broadcast %add3A_111 : vector<1x128xf32> to vector<64x128xf32>
    %mul3A_677 = arith.mulf %select_n3A_675, %mul3A_676 : vector<64x128xf32>
    %swap3A_678 = arith.constant 0 : index
    %swap3A_679 = arith.constant 31 : index
    %swap3A_680 = arith.constant 0 : index
    %swap3A_681 = arith.constant 0 : index
    %swap3A_682 = vector.load %arg7[%swap3A_678, %swap3A_679, %swap3A_680, %swap3A_681] : memref<1x56x64x128xf32, #tpu.memory_space<vmem>>, vector<1x1x64x128xf32>
    %swap3A_683 = vector.shape_cast %swap3A_682 : vector<1x1x64x128xf32> to vector<64x128xf32>
    %swap3A_684 = vector.shape_cast %mul3A_677 : vector<64x128xf32> to vector<1x1x64x128xf32>
    tpu.vector_store %arg7[%swap3A_678, %swap3A_679, %swap3A_680, %swap3A_681], %swap3A_684 {strides = array<i32>} : memref<1x56x64x128xf32, #tpu.memory_space<vmem>>, vector<1x1x64x128xf32>,
    %slice3A_685 = vector.extract_strided_slice %dot_general3A_82 {offsets = [0, 32], sizes = [64, 1], strides = [1, 1]} : vector<64x56xf32> to vector<64x1xf32>
    %slice3A_686 = vector.extract_strided_slice %dot_general3A_84 {offsets = [0, 32], sizes = [64, 1], strides = [1, 1]} : vector<64x56xf32> to vector<64x1xf32>
    %broadcast_in_dim3A_687 = vector.shape_cast %lt3A_87 : vector<1x128xi1> to vector<1x128xi1>
    %broadcast_in_dim3A_688 = vector.broadcast %broadcast_in_dim3A_687 : vector<1x128xi1> to vector<64x128xi1>
    %broadcast_in_dim3A_689 = vector.shape_cast %slice3A_685 : vector<64x1xf32> to vector<64x1xf32>
    %broadcast_in_dim3A_690 = vector.broadcast %broadcast_in_dim3A_689 : vector<64x1xf32> to vector<64x128xf32>
    %broadcast_in_dim3A_691 = vector.shape_cast %slice3A_686 : vector<64x1xf32> to vector<64x1xf32>
    %broadcast_in_dim3A_692 = vector.broadcast %broadcast_in_dim3A_691 : vector<64x1xf32> to vector<64x128xf32>
    %select_n3A_693 = arith.select %broadcast_in_dim3A_688, %broadcast_in_dim3A_690, %broadcast_in_dim3A_692 : vector<64x128xi1>, vector<64x128xf32>
    %mul3A_694 = vector.broadcast %add3A_111 : vector<1x128xf32> to vector<64x128xf32>
    %mul3A_695 = arith.mulf %select_n3A_693, %mul3A_694 : vector<64x128xf32>
    %swap3A_696 = arith.constant 0 : index
    %swap3A_697 = arith.constant 32 : index
    %swap3A_698 = arith.constant 0 : index
    %swap3A_699 = arith.constant 0 : index
    %swap3A_700 = vector.load %arg7[%swap3A_696, %swap3A_697, %swap3A_698, %swap3A_699] : memref<1x56x64x128xf32, #tpu.memory_space<vmem>>, vector<1x1x64x128xf32>
    %swap3A_701 = vector.shape_cast %swap3A_700 : vector<1x1x64x128xf32> to vector<64x128xf32>
    %swap3A_702 = vector.shape_cast %mul3A_695 : vector<64x128xf32> to vector<1x1x64x128xf32>
    tpu.vector_store %arg7[%swap3A_696, %swap3A_697, %swap3A_698, %swap3A_699], %swap3A_702 {strides = array<i32>} : memref<1x56x64x128xf32, #tpu.memory_space<vmem>>, vector<1x1x64x128xf32>,
    %slice3A_703 = vector.extract_strided_slice %dot_general3A_82 {offsets = [0, 33], sizes = [64, 1], strides = [1, 1]} : vector<64x56xf32> to vector<64x1xf32>
    %slice3A_704 = vector.extract_strided_slice %dot_general3A_84 {offsets = [0, 33], sizes = [64, 1], strides = [1, 1]} : vector<64x56xf32> to vector<64x1xf32>
    %broadcast_in_dim3A_705 = vector.shape_cast %lt3A_87 : vector<1x128xi1> to vector<1x128xi1>
    %broadcast_in_dim3A_706 = vector.broadcast %broadcast_in_dim3A_705 : vector<1x128xi1> to vector<64x128xi1>
    %broadcast_in_dim3A_707 = vector.shape_cast %slice3A_703 : vector<64x1xf32> to vector<64x1xf32>
    %broadcast_in_dim3A_708 = vector.broadcast %broadcast_in_dim3A_707 : vector<64x1xf32> to vector<64x128xf32>
    %broadcast_in_dim3A_709 = vector.shape_cast %slice3A_704 : vector<64x1xf32> to vector<64x1xf32>
    %broadcast_in_dim3A_710 = vector.broadcast %broadcast_in_dim3A_709 : vector<64x1xf32> to vector<64x128xf32>
    %select_n3A_711 = arith.select %broadcast_in_dim3A_706, %broadcast_in_dim3A_708, %broadcast_in_dim3A_710 : vector<64x128xi1>, vector<64x128xf32>
    %mul3A_712 = vector.broadcast %add3A_111 : vector<1x128xf32> to vector<64x128xf32>
    %mul3A_713 = arith.mulf %select_n3A_711, %mul3A_712 : vector<64x128xf32>
    %swap3A_714 = arith.constant 0 : index
    %swap3A_715 = arith.constant 33 : index
    %swap3A_716 = arith.constant 0 : index
    %swap3A_717 = arith.constant 0 : index
    %swap3A_718 = vector.load %arg7[%swap3A_714, %swap3A_715, %swap3A_716, %swap3A_717] : memref<1x56x64x128xf32, #tpu.memory_space<vmem>>, vector<1x1x64x128xf32>
    %swap3A_719 = vector.shape_cast %swap3A_718 : vector<1x1x64x128xf32> to vector<64x128xf32>
    %swap3A_720 = vector.shape_cast %mul3A_713 : vector<64x128xf32> to vector<1x1x64x128xf32>
    tpu.vector_store %arg7[%swap3A_714, %swap3A_715, %swap3A_716, %swap3A_717], %swap3A_720 {strides = array<i32>} : memref<1x56x64x128xf32, #tpu.memory_space<vmem>>, vector<1x1x64x128xf32>,
    %slice3A_721 = vector.extract_strided_slice %dot_general3A_82 {offsets = [0, 34], sizes = [64, 1], strides = [1, 1]} : vector<64x56xf32> to vector<64x1xf32>
    %slice3A_722 = vector.extract_strided_slice %dot_general3A_84 {offsets = [0, 34], sizes = [64, 1], strides = [1, 1]} : vector<64x56xf32> to vector<64x1xf32>
    %broadcast_in_dim3A_723 = vector.shape_cast %lt3A_87 : vector<1x128xi1> to vector<1x128xi1>
    %broadcast_in_dim3A_724 = vector.broadcast %broadcast_in_dim3A_723 : vector<1x128xi1> to vector<64x128xi1>
    %broadcast_in_dim3A_725 = vector.shape_cast %slice3A_721 : vector<64x1xf32> to vector<64x1xf32>
    %broadcast_in_dim3A_726 = vector.broadcast %broadcast_in_dim3A_725 : vector<64x1xf32> to vector<64x128xf32>
    %broadcast_in_dim3A_727 = vector.shape_cast %slice3A_722 : vector<64x1xf32> to vector<64x1xf32>
    %broadcast_in_dim3A_728 = vector.broadcast %broadcast_in_dim3A_727 : vector<64x1xf32> to vector<64x128xf32>
    %select_n3A_729 = arith.select %broadcast_in_dim3A_724, %broadcast_in_dim3A_726, %broadcast_in_dim3A_728 : vector<64x128xi1>, vector<64x128xf32>
    %mul3A_730 = vector.broadcast %add3A_111 : vector<1x128xf32> to vector<64x128xf32>
    %mul3A_731 = arith.mulf %select_n3A_729, %mul3A_730 : vector<64x128xf32>
    %swap3A_732 = arith.constant 0 : index
    %swap3A_733 = arith.constant 34 : index
    %swap3A_734 = arith.constant 0 : index
    %swap3A_735 = arith.constant 0 : index
    %swap3A_736 = vector.load %arg7[%swap3A_732, %swap3A_733, %swap3A_734, %swap3A_735] : memref<1x56x64x128xf32, #tpu.memory_space<vmem>>, vector<1x1x64x128xf32>
    %swap3A_737 = vector.shape_cast %swap3A_736 : vector<1x1x64x128xf32> to vector<64x128xf32>
    %swap3A_738 = vector.shape_cast %mul3A_731 : vector<64x128xf32> to vector<1x1x64x128xf32>
    tpu.vector_store %arg7[%swap3A_732, %swap3A_733, %swap3A_734, %swap3A_735], %swap3A_738 {strides = array<i32>} : memref<1x56x64x128xf32, #tpu.memory_space<vmem>>, vector<1x1x64x128xf32>,
    %slice3A_739 = vector.extract_strided_slice %dot_general3A_82 {offsets = [0, 35], sizes = [64, 1], strides = [1, 1]} : vector<64x56xf32> to vector<64x1xf32>
    %slice3A_740 = vector.extract_strided_slice %dot_general3A_84 {offsets = [0, 35], sizes = [64, 1], strides = [1, 1]} : vector<64x56xf32> to vector<64x1xf32>
    %broadcast_in_dim3A_741 = vector.shape_cast %lt3A_87 : vector<1x128xi1> to vector<1x128xi1>
    %broadcast_in_dim3A_742 = vector.broadcast %broadcast_in_dim3A_741 : vector<1x128xi1> to vector<64x128xi1>
    %broadcast_in_dim3A_743 = vector.shape_cast %slice3A_739 : vector<64x1xf32> to vector<64x1xf32>
    %broadcast_in_dim3A_744 = vector.broadcast %broadcast_in_dim3A_743 : vector<64x1xf32> to vector<64x128xf32>
    %broadcast_in_dim3A_745 = vector.shape_cast %slice3A_740 : vector<64x1xf32> to vector<64x1xf32>
    %broadcast_in_dim3A_746 = vector.broadcast %broadcast_in_dim3A_745 : vector<64x1xf32> to vector<64x128xf32>
    %select_n3A_747 = arith.select %broadcast_in_dim3A_742, %broadcast_in_dim3A_744, %broadcast_in_dim3A_746 : vector<64x128xi1>, vector<64x128xf32>
    %mul3A_748 = vector.broadcast %add3A_111 : vector<1x128xf32> to vector<64x128xf32>
    %mul3A_749 = arith.mulf %select_n3A_747, %mul3A_748 : vector<64x128xf32>
    %swap3A_750 = arith.constant 0 : index
    %swap3A_751 = arith.constant 35 : index
    %swap3A_752 = arith.constant 0 : index
    %swap3A_753 = arith.constant 0 : index
    %swap3A_754 = vector.load %arg7[%swap3A_750, %swap3A_751, %swap3A_752, %swap3A_753] : memref<1x56x64x128xf32, #tpu.memory_space<vmem>>, vector<1x1x64x128xf32>
    %swap3A_755 = vector.shape_cast %swap3A_754 : vector<1x1x64x128xf32> to vector<64x128xf32>
    %swap3A_756 = vector.shape_cast %mul3A_749 : vector<64x128xf32> to vector<1x1x64x128xf32>
    tpu.vector_store %arg7[%swap3A_750, %swap3A_751, %swap3A_752, %swap3A_753], %swap3A_756 {strides = array<i32>} : memref<1x56x64x128xf32, #tpu.memory_space<vmem>>, vector<1x1x64x128xf32>,
    %slice3A_757 = vector.extract_strided_slice %dot_general3A_82 {offsets = [0, 36], sizes = [64, 1], strides = [1, 1]} : vector<64x56xf32> to vector<64x1xf32>
    %slice3A_758 = vector.extract_strided_slice %dot_general3A_84 {offsets = [0, 36], sizes = [64, 1], strides = [1, 1]} : vector<64x56xf32> to vector<64x1xf32>
    %broadcast_in_dim3A_759 = vector.shape_cast %lt3A_87 : vector<1x128xi1> to vector<1x128xi1>
    %broadcast_in_dim3A_760 = vector.broadcast %broadcast_in_dim3A_759 : vector<1x128xi1> to vector<64x128xi1>
    %broadcast_in_dim3A_761 = vector.shape_cast %slice3A_757 : vector<64x1xf32> to vector<64x1xf32>
    %broadcast_in_dim3A_762 = vector.broadcast %broadcast_in_dim3A_761 : vector<64x1xf32> to vector<64x128xf32>
    %broadcast_in_dim3A_763 = vector.shape_cast %slice3A_758 : vector<64x1xf32> to vector<64x1xf32>
    %broadcast_in_dim3A_764 = vector.broadcast %broadcast_in_dim3A_763 : vector<64x1xf32> to vector<64x128xf32>
    %select_n3A_765 = arith.select %broadcast_in_dim3A_760, %broadcast_in_dim3A_762, %broadcast_in_dim3A_764 : vector<64x128xi1>, vector<64x128xf32>
    %mul3A_766 = vector.broadcast %add3A_111 : vector<1x128xf32> to vector<64x128xf32>
    %mul3A_767 = arith.mulf %select_n3A_765, %mul3A_766 : vector<64x128xf32>
    %swap3A_768 = arith.constant 0 : index
    %swap3A_769 = arith.constant 36 : index
    %swap3A_770 = arith.constant 0 : index
    %swap3A_771 = arith.constant 0 : index
    %swap3A_772 = vector.load %arg7[%swap3A_768, %swap3A_769, %swap3A_770, %swap3A_771] : memref<1x56x64x128xf32, #tpu.memory_space<vmem>>, vector<1x1x64x128xf32>
    %swap3A_773 = vector.shape_cast %swap3A_772 : vector<1x1x64x128xf32> to vector<64x128xf32>
    %swap3A_774 = vector.shape_cast %mul3A_767 : vector<64x128xf32> to vector<1x1x64x128xf32>
    tpu.vector_store %arg7[%swap3A_768, %swap3A_769, %swap3A_770, %swap3A_771], %swap3A_774 {strides = array<i32>} : memref<1x56x64x128xf32, #tpu.memory_space<vmem>>, vector<1x1x64x128xf32>,
    %slice3A_775 = vector.extract_strided_slice %dot_general3A_82 {offsets = [0, 37], sizes = [64, 1], strides = [1, 1]} : vector<64x56xf32> to vector<64x1xf32>
    %slice3A_776 = vector.extract_strided_slice %dot_general3A_84 {offsets = [0, 37], sizes = [64, 1], strides = [1, 1]} : vector<64x56xf32> to vector<64x1xf32>
    %broadcast_in_dim3A_777 = vector.shape_cast %lt3A_87 : vector<1x128xi1> to vector<1x128xi1>
    %broadcast_in_dim3A_778 = vector.broadcast %broadcast_in_dim3A_777 : vector<1x128xi1> to vector<64x128xi1>
    %broadcast_in_dim3A_779 = vector.shape_cast %slice3A_775 : vector<64x1xf32> to vector<64x1xf32>
    %broadcast_in_dim3A_780 = vector.broadcast %broadcast_in_dim3A_779 : vector<64x1xf32> to vector<64x128xf32>
    %broadcast_in_dim3A_781 = vector.shape_cast %slice3A_776 : vector<64x1xf32> to vector<64x1xf32>
    %broadcast_in_dim3A_782 = vector.broadcast %broadcast_in_dim3A_781 : vector<64x1xf32> to vector<64x128xf32>
    %select_n3A_783 = arith.select %broadcast_in_dim3A_778, %broadcast_in_dim3A_780, %broadcast_in_dim3A_782 : vector<64x128xi1>, vector<64x128xf32>
    %mul3A_784 = vector.broadcast %add3A_111 : vector<1x128xf32> to vector<64x128xf32>
    %mul3A_785 = arith.mulf %select_n3A_783, %mul3A_784 : vector<64x128xf32>
    %swap3A_786 = arith.constant 0 : index
    %swap3A_787 = arith.constant 37 : index
    %swap3A_788 = arith.constant 0 : index
    %swap3A_789 = arith.constant 0 : index
    %swap3A_790 = vector.load %arg7[%swap3A_786, %swap3A_787, %swap3A_788, %swap3A_789] : memref<1x56x64x128xf32, #tpu.memory_space<vmem>>, vector<1x1x64x128xf32>
    %swap3A_791 = vector.shape_cast %swap3A_790 : vector<1x1x64x128xf32> to vector<64x128xf32>
    %swap3A_792 = vector.shape_cast %mul3A_785 : vector<64x128xf32> to vector<1x1x64x128xf32>
    tpu.vector_store %arg7[%swap3A_786, %swap3A_787, %swap3A_788, %swap3A_789], %swap3A_792 {strides = array<i32>} : memref<1x56x64x128xf32, #tpu.memory_space<vmem>>, vector<1x1x64x128xf32>,
    %slice3A_793 = vector.extract_strided_slice %dot_general3A_82 {offsets = [0, 38], sizes = [64, 1], strides = [1, 1]} : vector<64x56xf32> to vector<64x1xf32>
    %slice3A_794 = vector.extract_strided_slice %dot_general3A_84 {offsets = [0, 38], sizes = [64, 1], strides = [1, 1]} : vector<64x56xf32> to vector<64x1xf32>
    %broadcast_in_dim3A_795 = vector.shape_cast %lt3A_87 : vector<1x128xi1> to vector<1x128xi1>
    %broadcast_in_dim3A_796 = vector.broadcast %broadcast_in_dim3A_795 : vector<1x128xi1> to vector<64x128xi1>
    %broadcast_in_dim3A_797 = vector.shape_cast %slice3A_793 : vector<64x1xf32> to vector<64x1xf32>
    %broadcast_in_dim3A_798 = vector.broadcast %broadcast_in_dim3A_797 : vector<64x1xf32> to vector<64x128xf32>
    %broadcast_in_dim3A_799 = vector.shape_cast %slice3A_794 : vector<64x1xf32> to vector<64x1xf32>
    %broadcast_in_dim3A_800 = vector.broadcast %broadcast_in_dim3A_799 : vector<64x1xf32> to vector<64x128xf32>
    %select_n3A_801 = arith.select %broadcast_in_dim3A_796, %broadcast_in_dim3A_798, %broadcast_in_dim3A_800 : vector<64x128xi1>, vector<64x128xf32>
    %mul3A_802 = vector.broadcast %add3A_111 : vector<1x128xf32> to vector<64x128xf32>
    %mul3A_803 = arith.mulf %select_n3A_801, %mul3A_802 : vector<64x128xf32>
    %swap3A_804 = arith.constant 0 : index
    %swap3A_805 = arith.constant 38 : index
    %swap3A_806 = arith.constant 0 : index
    %swap3A_807 = arith.constant 0 : index
    %swap3A_808 = vector.load %arg7[%swap3A_804, %swap3A_805, %swap3A_806, %swap3A_807] : memref<1x56x64x128xf32, #tpu.memory_space<vmem>>, vector<1x1x64x128xf32>
    %swap3A_809 = vector.shape_cast %swap3A_808 : vector<1x1x64x128xf32> to vector<64x128xf32>
    %swap3A_810 = vector.shape_cast %mul3A_803 : vector<64x128xf32> to vector<1x1x64x128xf32>
    tpu.vector_store %arg7[%swap3A_804, %swap3A_805, %swap3A_806, %swap3A_807], %swap3A_810 {strides = array<i32>} : memref<1x56x64x128xf32, #tpu.memory_space<vmem>>, vector<1x1x64x128xf32>,
    %slice3A_811 = vector.extract_strided_slice %dot_general3A_82 {offsets = [0, 39], sizes = [64, 1], strides = [1, 1]} : vector<64x56xf32> to vector<64x1xf32>
    %slice3A_812 = vector.extract_strided_slice %dot_general3A_84 {offsets = [0, 39], sizes = [64, 1], strides = [1, 1]} : vector<64x56xf32> to vector<64x1xf32>
    %broadcast_in_dim3A_813 = vector.shape_cast %lt3A_87 : vector<1x128xi1> to vector<1x128xi1>
    %broadcast_in_dim3A_814 = vector.broadcast %broadcast_in_dim3A_813 : vector<1x128xi1> to vector<64x128xi1>
    %broadcast_in_dim3A_815 = vector.shape_cast %slice3A_811 : vector<64x1xf32> to vector<64x1xf32>
    %broadcast_in_dim3A_816 = vector.broadcast %broadcast_in_dim3A_815 : vector<64x1xf32> to vector<64x128xf32>
    %broadcast_in_dim3A_817 = vector.shape_cast %slice3A_812 : vector<64x1xf32> to vector<64x1xf32>
    %broadcast_in_dim3A_818 = vector.broadcast %broadcast_in_dim3A_817 : vector<64x1xf32> to vector<64x128xf32>
    %select_n3A_819 = arith.select %broadcast_in_dim3A_814, %broadcast_in_dim3A_816, %broadcast_in_dim3A_818 : vector<64x128xi1>, vector<64x128xf32>
    %mul3A_820 = vector.broadcast %add3A_111 : vector<1x128xf32> to vector<64x128xf32>
    %mul3A_821 = arith.mulf %select_n3A_819, %mul3A_820 : vector<64x128xf32>
    %swap3A_822 = arith.constant 0 : index
    %swap3A_823 = arith.constant 39 : index
    %swap3A_824 = arith.constant 0 : index
    %swap3A_825 = arith.constant 0 : index
    %swap3A_826 = vector.load %arg7[%swap3A_822, %swap3A_823, %swap3A_824, %swap3A_825] : memref<1x56x64x128xf32, #tpu.memory_space<vmem>>, vector<1x1x64x128xf32>
    %swap3A_827 = vector.shape_cast %swap3A_826 : vector<1x1x64x128xf32> to vector<64x128xf32>
    %swap3A_828 = vector.shape_cast %mul3A_821 : vector<64x128xf32> to vector<1x1x64x128xf32>
    tpu.vector_store %arg7[%swap3A_822, %swap3A_823, %swap3A_824, %swap3A_825], %swap3A_828 {strides = array<i32>} : memref<1x56x64x128xf32, #tpu.memory_space<vmem>>, vector<1x1x64x128xf32>,
    %slice3A_829 = vector.extract_strided_slice %dot_general3A_82 {offsets = [0, 40], sizes = [64, 1], strides = [1, 1]} : vector<64x56xf32> to vector<64x1xf32>
    %slice3A_830 = vector.extract_strided_slice %dot_general3A_84 {offsets = [0, 40], sizes = [64, 1], strides = [1, 1]} : vector<64x56xf32> to vector<64x1xf32>
    %broadcast_in_dim3A_831 = vector.shape_cast %lt3A_87 : vector<1x128xi1> to vector<1x128xi1>
    %broadcast_in_dim3A_832 = vector.broadcast %broadcast_in_dim3A_831 : vector<1x128xi1> to vector<64x128xi1>
    %broadcast_in_dim3A_833 = vector.shape_cast %slice3A_829 : vector<64x1xf32> to vector<64x1xf32>
    %broadcast_in_dim3A_834 = vector.broadcast %broadcast_in_dim3A_833 : vector<64x1xf32> to vector<64x128xf32>
    %broadcast_in_dim3A_835 = vector.shape_cast %slice3A_830 : vector<64x1xf32> to vector<64x1xf32>
    %broadcast_in_dim3A_836 = vector.broadcast %broadcast_in_dim3A_835 : vector<64x1xf32> to vector<64x128xf32>
    %select_n3A_837 = arith.select %broadcast_in_dim3A_832, %broadcast_in_dim3A_834, %broadcast_in_dim3A_836 : vector<64x128xi1>, vector<64x128xf32>
    %mul3A_838 = vector.broadcast %add3A_111 : vector<1x128xf32> to vector<64x128xf32>
    %mul3A_839 = arith.mulf %select_n3A_837, %mul3A_838 : vector<64x128xf32>
    %swap3A_840 = arith.constant 0 : index
    %swap3A_841 = arith.constant 40 : index
    %swap3A_842 = arith.constant 0 : index
    %swap3A_843 = arith.constant 0 : index
    %swap3A_844 = vector.load %arg7[%swap3A_840, %swap3A_841, %swap3A_842, %swap3A_843] : memref<1x56x64x128xf32, #tpu.memory_space<vmem>>, vector<1x1x64x128xf32>
    %swap3A_845 = vector.shape_cast %swap3A_844 : vector<1x1x64x128xf32> to vector<64x128xf32>
    %swap3A_846 = vector.shape_cast %mul3A_839 : vector<64x128xf32> to vector<1x1x64x128xf32>
    tpu.vector_store %arg7[%swap3A_840, %swap3A_841, %swap3A_842, %swap3A_843], %swap3A_846 {strides = array<i32>} : memref<1x56x64x128xf32, #tpu.memory_space<vmem>>, vector<1x1x64x128xf32>,
    %slice3A_847 = vector.extract_strided_slice %dot_general3A_82 {offsets = [0, 41], sizes = [64, 1], strides = [1, 1]} : vector<64x56xf32> to vector<64x1xf32>
    %slice3A_848 = vector.extract_strided_slice %dot_general3A_84 {offsets = [0, 41], sizes = [64, 1], strides = [1, 1]} : vector<64x56xf32> to vector<64x1xf32>
    %broadcast_in_dim3A_849 = vector.shape_cast %lt3A_87 : vector<1x128xi1> to vector<1x128xi1>
    %broadcast_in_dim3A_850 = vector.broadcast %broadcast_in_dim3A_849 : vector<1x128xi1> to vector<64x128xi1>
    %broadcast_in_dim3A_851 = vector.shape_cast %slice3A_847 : vector<64x1xf32> to vector<64x1xf32>
    %broadcast_in_dim3A_852 = vector.broadcast %broadcast_in_dim3A_851 : vector<64x1xf32> to vector<64x128xf32>
    %broadcast_in_dim3A_853 = vector.shape_cast %slice3A_848 : vector<64x1xf32> to vector<64x1xf32>
    %broadcast_in_dim3A_854 = vector.broadcast %broadcast_in_dim3A_853 : vector<64x1xf32> to vector<64x128xf32>
    %select_n3A_855 = arith.select %broadcast_in_dim3A_850, %broadcast_in_dim3A_852, %broadcast_in_dim3A_854 : vector<64x128xi1>, vector<64x128xf32>
    %mul3A_856 = vector.broadcast %add3A_111 : vector<1x128xf32> to vector<64x128xf32>
    %mul3A_857 = arith.mulf %select_n3A_855, %mul3A_856 : vector<64x128xf32>
    %swap3A_858 = arith.constant 0 : index
    %swap3A_859 = arith.constant 41 : index
    %swap3A_860 = arith.constant 0 : index
    %swap3A_861 = arith.constant 0 : index
    %swap3A_862 = vector.load %arg7[%swap3A_858, %swap3A_859, %swap3A_860, %swap3A_861] : memref<1x56x64x128xf32, #tpu.memory_space<vmem>>, vector<1x1x64x128xf32>
    %swap3A_863 = vector.shape_cast %swap3A_862 : vector<1x1x64x128xf32> to vector<64x128xf32>
    %swap3A_864 = vector.shape_cast %mul3A_857 : vector<64x128xf32> to vector<1x1x64x128xf32>
    tpu.vector_store %arg7[%swap3A_858, %swap3A_859, %swap3A_860, %swap3A_861], %swap3A_864 {strides = array<i32>} : memref<1x56x64x128xf32, #tpu.memory_space<vmem>>, vector<1x1x64x128xf32>,
    %slice3A_865 = vector.extract_strided_slice %dot_general3A_82 {offsets = [0, 42], sizes = [64, 1], strides = [1, 1]} : vector<64x56xf32> to vector<64x1xf32>
    %slice3A_866 = vector.extract_strided_slice %dot_general3A_84 {offsets = [0, 42], sizes = [64, 1], strides = [1, 1]} : vector<64x56xf32> to vector<64x1xf32>
    %broadcast_in_dim3A_867 = vector.shape_cast %lt3A_87 : vector<1x128xi1> to vector<1x128xi1>
    %broadcast_in_dim3A_868 = vector.broadcast %broadcast_in_dim3A_867 : vector<1x128xi1> to vector<64x128xi1>
    %broadcast_in_dim3A_869 = vector.shape_cast %slice3A_865 : vector<64x1xf32> to vector<64x1xf32>
    %broadcast_in_dim3A_870 = vector.broadcast %broadcast_in_dim3A_869 : vector<64x1xf32> to vector<64x128xf32>
    %broadcast_in_dim3A_871 = vector.shape_cast %slice3A_866 : vector<64x1xf32> to vector<64x1xf32>
    %broadcast_in_dim3A_872 = vector.broadcast %broadcast_in_dim3A_871 : vector<64x1xf32> to vector<64x128xf32>
    %select_n3A_873 = arith.select %broadcast_in_dim3A_868, %broadcast_in_dim3A_870, %broadcast_in_dim3A_872 : vector<64x128xi1>, vector<64x128xf32>
    %mul3A_874 = vector.broadcast %add3A_111 : vector<1x128xf32> to vector<64x128xf32>
    %mul3A_875 = arith.mulf %select_n3A_873, %mul3A_874 : vector<64x128xf32>
    %swap3A_876 = arith.constant 0 : index
    %swap3A_877 = arith.constant 42 : index
    %swap3A_878 = arith.constant 0 : index
    %swap3A_879 = arith.constant 0 : index
    %swap3A_880 = vector.load %arg7[%swap3A_876, %swap3A_877, %swap3A_878, %swap3A_879] : memref<1x56x64x128xf32, #tpu.memory_space<vmem>>, vector<1x1x64x128xf32>
    %swap3A_881 = vector.shape_cast %swap3A_880 : vector<1x1x64x128xf32> to vector<64x128xf32>
    %swap3A_882 = vector.shape_cast %mul3A_875 : vector<64x128xf32> to vector<1x1x64x128xf32>
    tpu.vector_store %arg7[%swap3A_876, %swap3A_877, %swap3A_878, %swap3A_879], %swap3A_882 {strides = array<i32>} : memref<1x56x64x128xf32, #tpu.memory_space<vmem>>, vector<1x1x64x128xf32>,
    %slice3A_883 = vector.extract_strided_slice %dot_general3A_82 {offsets = [0, 43], sizes = [64, 1], strides = [1, 1]} : vector<64x56xf32> to vector<64x1xf32>
    %slice3A_884 = vector.extract_strided_slice %dot_general3A_84 {offsets = [0, 43], sizes = [64, 1], strides = [1, 1]} : vector<64x56xf32> to vector<64x1xf32>
    %broadcast_in_dim3A_885 = vector.shape_cast %lt3A_87 : vector<1x128xi1> to vector<1x128xi1>
    %broadcast_in_dim3A_886 = vector.broadcast %broadcast_in_dim3A_885 : vector<1x128xi1> to vector<64x128xi1>
    %broadcast_in_dim3A_887 = vector.shape_cast %slice3A_883 : vector<64x1xf32> to vector<64x1xf32>
    %broadcast_in_dim3A_888 = vector.broadcast %broadcast_in_dim3A_887 : vector<64x1xf32> to vector<64x128xf32>
    %broadcast_in_dim3A_889 = vector.shape_cast %slice3A_884 : vector<64x1xf32> to vector<64x1xf32>
    %broadcast_in_dim3A_890 = vector.broadcast %broadcast_in_dim3A_889 : vector<64x1xf32> to vector<64x128xf32>
    %select_n3A_891 = arith.select %broadcast_in_dim3A_886, %broadcast_in_dim3A_888, %broadcast_in_dim3A_890 : vector<64x128xi1>, vector<64x128xf32>
    %mul3A_892 = vector.broadcast %add3A_111 : vector<1x128xf32> to vector<64x128xf32>
    %mul3A_893 = arith.mulf %select_n3A_891, %mul3A_892 : vector<64x128xf32>
    %swap3A_894 = arith.constant 0 : index
    %swap3A_895 = arith.constant 43 : index
    %swap3A_896 = arith.constant 0 : index
    %swap3A_897 = arith.constant 0 : index
    %swap3A_898 = vector.load %arg7[%swap3A_894, %swap3A_895, %swap3A_896, %swap3A_897] : memref<1x56x64x128xf32, #tpu.memory_space<vmem>>, vector<1x1x64x128xf32>
    %swap3A_899 = vector.shape_cast %swap3A_898 : vector<1x1x64x128xf32> to vector<64x128xf32>
    %swap3A_900 = vector.shape_cast %mul3A_893 : vector<64x128xf32> to vector<1x1x64x128xf32>
    tpu.vector_store %arg7[%swap3A_894, %swap3A_895, %swap3A_896, %swap3A_897], %swap3A_900 {strides = array<i32>} : memref<1x56x64x128xf32, #tpu.memory_space<vmem>>, vector<1x1x64x128xf32>,
    %slice3A_901 = vector.extract_strided_slice %dot_general3A_82 {offsets = [0, 44], sizes = [64, 1], strides = [1, 1]} : vector<64x56xf32> to vector<64x1xf32>
    %slice3A_902 = vector.extract_strided_slice %dot_general3A_84 {offsets = [0, 44], sizes = [64, 1], strides = [1, 1]} : vector<64x56xf32> to vector<64x1xf32>
    %broadcast_in_dim3A_903 = vector.shape_cast %lt3A_87 : vector<1x128xi1> to vector<1x128xi1>
    %broadcast_in_dim3A_904 = vector.broadcast %broadcast_in_dim3A_903 : vector<1x128xi1> to vector<64x128xi1>
    %broadcast_in_dim3A_905 = vector.shape_cast %slice3A_901 : vector<64x1xf32> to vector<64x1xf32>
    %broadcast_in_dim3A_906 = vector.broadcast %broadcast_in_dim3A_905 : vector<64x1xf32> to vector<64x128xf32>
    %broadcast_in_dim3A_907 = vector.shape_cast %slice3A_902 : vector<64x1xf32> to vector<64x1xf32>
    %broadcast_in_dim3A_908 = vector.broadcast %broadcast_in_dim3A_907 : vector<64x1xf32> to vector<64x128xf32>
    %select_n3A_909 = arith.select %broadcast_in_dim3A_904, %broadcast_in_dim3A_906, %broadcast_in_dim3A_908 : vector<64x128xi1>, vector<64x128xf32>
    %mul3A_910 = vector.broadcast %add3A_111 : vector<1x128xf32> to vector<64x128xf32>
    %mul3A_911 = arith.mulf %select_n3A_909, %mul3A_910 : vector<64x128xf32>
    %swap3A_912 = arith.constant 0 : index
    %swap3A_913 = arith.constant 44 : index
    %swap3A_914 = arith.constant 0 : index
    %swap3A_915 = arith.constant 0 : index
    %swap3A_916 = vector.load %arg7[%swap3A_912, %swap3A_913, %swap3A_914, %swap3A_915] : memref<1x56x64x128xf32, #tpu.memory_space<vmem>>, vector<1x1x64x128xf32>
    %swap3A_917 = vector.shape_cast %swap3A_916 : vector<1x1x64x128xf32> to vector<64x128xf32>
    %swap3A_918 = vector.shape_cast %mul3A_911 : vector<64x128xf32> to vector<1x1x64x128xf32>
    tpu.vector_store %arg7[%swap3A_912, %swap3A_913, %swap3A_914, %swap3A_915], %swap3A_918 {strides = array<i32>} : memref<1x56x64x128xf32, #tpu.memory_space<vmem>>, vector<1x1x64x128xf32>,
    %slice3A_919 = vector.extract_strided_slice %dot_general3A_82 {offsets = [0, 45], sizes = [64, 1], strides = [1, 1]} : vector<64x56xf32> to vector<64x1xf32>
    %slice3A_920 = vector.extract_strided_slice %dot_general3A_84 {offsets = [0, 45], sizes = [64, 1], strides = [1, 1]} : vector<64x56xf32> to vector<64x1xf32>
    %broadcast_in_dim3A_921 = vector.shape_cast %lt3A_87 : vector<1x128xi1> to vector<1x128xi1>
    %broadcast_in_dim3A_922 = vector.broadcast %broadcast_in_dim3A_921 : vector<1x128xi1> to vector<64x128xi1>
    %broadcast_in_dim3A_923 = vector.shape_cast %slice3A_919 : vector<64x1xf32> to vector<64x1xf32>
    %broadcast_in_dim3A_924 = vector.broadcast %broadcast_in_dim3A_923 : vector<64x1xf32> to vector<64x128xf32>
    %broadcast_in_dim3A_925 = vector.shape_cast %slice3A_920 : vector<64x1xf32> to vector<64x1xf32>
    %broadcast_in_dim3A_926 = vector.broadcast %broadcast_in_dim3A_925 : vector<64x1xf32> to vector<64x128xf32>
    %select_n3A_927 = arith.select %broadcast_in_dim3A_922, %broadcast_in_dim3A_924, %broadcast_in_dim3A_926 : vector<64x128xi1>, vector<64x128xf32>
    %mul3A_928 = vector.broadcast %add3A_111 : vector<1x128xf32> to vector<64x128xf32>
    %mul3A_929 = arith.mulf %select_n3A_927, %mul3A_928 : vector<64x128xf32>
    %swap3A_930 = arith.constant 0 : index
    %swap3A_931 = arith.constant 45 : index
    %swap3A_932 = arith.constant 0 : index
    %swap3A_933 = arith.constant 0 : index
    %swap3A_934 = vector.load %arg7[%swap3A_930, %swap3A_931, %swap3A_932, %swap3A_933] : memref<1x56x64x128xf32, #tpu.memory_space<vmem>>, vector<1x1x64x128xf32>
    %swap3A_935 = vector.shape_cast %swap3A_934 : vector<1x1x64x128xf32> to vector<64x128xf32>
    %swap3A_936 = vector.shape_cast %mul3A_929 : vector<64x128xf32> to vector<1x1x64x128xf32>
    tpu.vector_store %arg7[%swap3A_930, %swap3A_931, %swap3A_932, %swap3A_933], %swap3A_936 {strides = array<i32>} : memref<1x56x64x128xf32, #tpu.memory_space<vmem>>, vector<1x1x64x128xf32>,
    %slice3A_937 = vector.extract_strided_slice %dot_general3A_82 {offsets = [0, 46], sizes = [64, 1], strides = [1, 1]} : vector<64x56xf32> to vector<64x1xf32>
    %slice3A_938 = vector.extract_strided_slice %dot_general3A_84 {offsets = [0, 46], sizes = [64, 1], strides = [1, 1]} : vector<64x56xf32> to vector<64x1xf32>
    %broadcast_in_dim3A_939 = vector.shape_cast %lt3A_87 : vector<1x128xi1> to vector<1x128xi1>
    %broadcast_in_dim3A_940 = vector.broadcast %broadcast_in_dim3A_939 : vector<1x128xi1> to vector<64x128xi1>
    %broadcast_in_dim3A_941 = vector.shape_cast %slice3A_937 : vector<64x1xf32> to vector<64x1xf32>
    %broadcast_in_dim3A_942 = vector.broadcast %broadcast_in_dim3A_941 : vector<64x1xf32> to vector<64x128xf32>
    %broadcast_in_dim3A_943 = vector.shape_cast %slice3A_938 : vector<64x1xf32> to vector<64x1xf32>
    %broadcast_in_dim3A_944 = vector.broadcast %broadcast_in_dim3A_943 : vector<64x1xf32> to vector<64x128xf32>
    %select_n3A_945 = arith.select %broadcast_in_dim3A_940, %broadcast_in_dim3A_942, %broadcast_in_dim3A_944 : vector<64x128xi1>, vector<64x128xf32>
    %mul3A_946 = vector.broadcast %add3A_111 : vector<1x128xf32> to vector<64x128xf32>
    %mul3A_947 = arith.mulf %select_n3A_945, %mul3A_946 : vector<64x128xf32>
    %swap3A_948 = arith.constant 0 : index
    %swap3A_949 = arith.constant 46 : index
    %swap3A_950 = arith.constant 0 : index
    %swap3A_951 = arith.constant 0 : index
    %swap3A_952 = vector.load %arg7[%swap3A_948, %swap3A_949, %swap3A_950, %swap3A_951] : memref<1x56x64x128xf32, #tpu.memory_space<vmem>>, vector<1x1x64x128xf32>
    %swap3A_953 = vector.shape_cast %swap3A_952 : vector<1x1x64x128xf32> to vector<64x128xf32>
    %swap3A_954 = vector.shape_cast %mul3A_947 : vector<64x128xf32> to vector<1x1x64x128xf32>
    tpu.vector_store %arg7[%swap3A_948, %swap3A_949, %swap3A_950, %swap3A_951], %swap3A_954 {strides = array<i32>} : memref<1x56x64x128xf32, #tpu.memory_space<vmem>>, vector<1x1x64x128xf32>,
    %slice3A_955 = vector.extract_strided_slice %dot_general3A_82 {offsets = [0, 47], sizes = [64, 1], strides = [1, 1]} : vector<64x56xf32> to vector<64x1xf32>
    %slice3A_956 = vector.extract_strided_slice %dot_general3A_84 {offsets = [0, 47], sizes = [64, 1], strides = [1, 1]} : vector<64x56xf32> to vector<64x1xf32>
    %broadcast_in_dim3A_957 = vector.shape_cast %lt3A_87 : vector<1x128xi1> to vector<1x128xi1>
    %broadcast_in_dim3A_958 = vector.broadcast %broadcast_in_dim3A_957 : vector<1x128xi1> to vector<64x128xi1>
    %broadcast_in_dim3A_959 = vector.shape_cast %slice3A_955 : vector<64x1xf32> to vector<64x1xf32>
    %broadcast_in_dim3A_960 = vector.broadcast %broadcast_in_dim3A_959 : vector<64x1xf32> to vector<64x128xf32>
    %broadcast_in_dim3A_961 = vector.shape_cast %slice3A_956 : vector<64x1xf32> to vector<64x1xf32>
    %broadcast_in_dim3A_962 = vector.broadcast %broadcast_in_dim3A_961 : vector<64x1xf32> to vector<64x128xf32>
    %select_n3A_963 = arith.select %broadcast_in_dim3A_958, %broadcast_in_dim3A_960, %broadcast_in_dim3A_962 : vector<64x128xi1>, vector<64x128xf32>
    %mul3A_964 = vector.broadcast %add3A_111 : vector<1x128xf32> to vector<64x128xf32>
    %mul3A_965 = arith.mulf %select_n3A_963, %mul3A_964 : vector<64x128xf32>
    %swap3A_966 = arith.constant 0 : index
    %swap3A_967 = arith.constant 47 : index
    %swap3A_968 = arith.constant 0 : index
    %swap3A_969 = arith.constant 0 : index
    %swap3A_970 = vector.load %arg7[%swap3A_966, %swap3A_967, %swap3A_968, %swap3A_969] : memref<1x56x64x128xf32, #tpu.memory_space<vmem>>, vector<1x1x64x128xf32>
    %swap3A_971 = vector.shape_cast %swap3A_970 : vector<1x1x64x128xf32> to vector<64x128xf32>
    %swap3A_972 = vector.shape_cast %mul3A_965 : vector<64x128xf32> to vector<1x1x64x128xf32>
    tpu.vector_store %arg7[%swap3A_966, %swap3A_967, %swap3A_968, %swap3A_969], %swap3A_972 {strides = array<i32>} : memref<1x56x64x128xf32, #tpu.memory_space<vmem>>, vector<1x1x64x128xf32>,
    %slice3A_973 = vector.extract_strided_slice %dot_general3A_82 {offsets = [0, 48], sizes = [64, 1], strides = [1, 1]} : vector<64x56xf32> to vector<64x1xf32>
    %slice3A_974 = vector.extract_strided_slice %dot_general3A_84 {offsets = [0, 48], sizes = [64, 1], strides = [1, 1]} : vector<64x56xf32> to vector<64x1xf32>
    %broadcast_in_dim3A_975 = vector.shape_cast %lt3A_87 : vector<1x128xi1> to vector<1x128xi1>
    %broadcast_in_dim3A_976 = vector.broadcast %broadcast_in_dim3A_975 : vector<1x128xi1> to vector<64x128xi1>
    %broadcast_in_dim3A_977 = vector.shape_cast %slice3A_973 : vector<64x1xf32> to vector<64x1xf32>
    %broadcast_in_dim3A_978 = vector.broadcast %broadcast_in_dim3A_977 : vector<64x1xf32> to vector<64x128xf32>
    %broadcast_in_dim3A_979 = vector.shape_cast %slice3A_974 : vector<64x1xf32> to vector<64x1xf32>
    %broadcast_in_dim3A_980 = vector.broadcast %broadcast_in_dim3A_979 : vector<64x1xf32> to vector<64x128xf32>
    %select_n3A_981 = arith.select %broadcast_in_dim3A_976, %broadcast_in_dim3A_978, %broadcast_in_dim3A_980 : vector<64x128xi1>, vector<64x128xf32>
    %mul3A_982 = vector.broadcast %add3A_111 : vector<1x128xf32> to vector<64x128xf32>
    %mul3A_983 = arith.mulf %select_n3A_981, %mul3A_982 : vector<64x128xf32>
    %swap3A_984 = arith.constant 0 : index
    %swap3A_985 = arith.constant 48 : index
    %swap3A_986 = arith.constant 0 : index
    %swap3A_987 = arith.constant 0 : index
    %swap3A_988 = vector.load %arg7[%swap3A_984, %swap3A_985, %swap3A_986, %swap3A_987] : memref<1x56x64x128xf32, #tpu.memory_space<vmem>>, vector<1x1x64x128xf32>
    %swap3A_989 = vector.shape_cast %swap3A_988 : vector<1x1x64x128xf32> to vector<64x128xf32>
    %swap3A_990 = vector.shape_cast %mul3A_983 : vector<64x128xf32> to vector<1x1x64x128xf32>
    tpu.vector_store %arg7[%swap3A_984, %swap3A_985, %swap3A_986, %swap3A_987], %swap3A_990 {strides = array<i32>} : memref<1x56x64x128xf32, #tpu.memory_space<vmem>>, vector<1x1x64x128xf32>,
    %slice3A_991 = vector.extract_strided_slice %dot_general3A_82 {offsets = [0, 49], sizes = [64, 1], strides = [1, 1]} : vector<64x56xf32> to vector<64x1xf32>
    %slice3A_992 = vector.extract_strided_slice %dot_general3A_84 {offsets = [0, 49], sizes = [64, 1], strides = [1, 1]} : vector<64x56xf32> to vector<64x1xf32>
    %broadcast_in_dim3A_993 = vector.shape_cast %lt3A_87 : vector<1x128xi1> to vector<1x128xi1>
    %broadcast_in_dim3A_994 = vector.broadcast %broadcast_in_dim3A_993 : vector<1x128xi1> to vector<64x128xi1>
    %broadcast_in_dim3A_995 = vector.shape_cast %slice3A_991 : vector<64x1xf32> to vector<64x1xf32>
    %broadcast_in_dim3A_996 = vector.broadcast %broadcast_in_dim3A_995 : vector<64x1xf32> to vector<64x128xf32>
    %broadcast_in_dim3A_997 = vector.shape_cast %slice3A_992 : vector<64x1xf32> to vector<64x1xf32>
    %broadcast_in_dim3A_998 = vector.broadcast %broadcast_in_dim3A_997 : vector<64x1xf32> to vector<64x128xf32>
    %select_n3A_999 = arith.select %broadcast_in_dim3A_994, %broadcast_in_dim3A_996, %broadcast_in_dim3A_998 : vector<64x128xi1>, vector<64x128xf32>
    %mul3A_1000 = vector.broadcast %add3A_111 : vector<1x128xf32> to vector<64x128xf32>
    %mul3A_1001 = arith.mulf %select_n3A_999, %mul3A_1000 : vector<64x128xf32>
    %swap3A_1002 = arith.constant 0 : index
    %swap3A_1003 = arith.constant 49 : index
    %swap3A_1004 = arith.constant 0 : index
    %swap3A_1005 = arith.constant 0 : index
    %swap3A_1006 = vector.load %arg7[%swap3A_1002, %swap3A_1003, %swap3A_1004, %swap3A_1005] : memref<1x56x64x128xf32, #tpu.memory_space<vmem>>, vector<1x1x64x128xf32>
    %swap3A_1007 = vector.shape_cast %swap3A_1006 : vector<1x1x64x128xf32> to vector<64x128xf32>
    %swap3A_1008 = vector.shape_cast %mul3A_1001 : vector<64x128xf32> to vector<1x1x64x128xf32>
    tpu.vector_store %arg7[%swap3A_1002, %swap3A_1003, %swap3A_1004, %swap3A_1005], %swap3A_1008 {strides = array<i32>} : memref<1x56x64x128xf32, #tpu.memory_space<vmem>>, vector<1x1x64x128xf32>,
    %slice3A_1009 = vector.extract_strided_slice %dot_general3A_82 {offsets = [0, 50], sizes = [64, 1], strides = [1, 1]} : vector<64x56xf32> to vector<64x1xf32>
    %slice3A_1010 = vector.extract_strided_slice %dot_general3A_84 {offsets = [0, 50], sizes = [64, 1], strides = [1, 1]} : vector<64x56xf32> to vector<64x1xf32>
    %broadcast_in_dim3A_1011 = vector.shape_cast %lt3A_87 : vector<1x128xi1> to vector<1x128xi1>
    %broadcast_in_dim3A_1012 = vector.broadcast %broadcast_in_dim3A_1011 : vector<1x128xi1> to vector<64x128xi1>
    %broadcast_in_dim3A_1013 = vector.shape_cast %slice3A_1009 : vector<64x1xf32> to vector<64x1xf32>
    %broadcast_in_dim3A_1014 = vector.broadcast %broadcast_in_dim3A_1013 : vector<64x1xf32> to vector<64x128xf32>
    %broadcast_in_dim3A_1015 = vector.shape_cast %slice3A_1010 : vector<64x1xf32> to vector<64x1xf32>
    %broadcast_in_dim3A_1016 = vector.broadcast %broadcast_in_dim3A_1015 : vector<64x1xf32> to vector<64x128xf32>
    %select_n3A_1017 = arith.select %broadcast_in_dim3A_1012, %broadcast_in_dim3A_1014, %broadcast_in_dim3A_1016 : vector<64x128xi1>, vector<64x128xf32>
    %mul3A_1018 = vector.broadcast %add3A_111 : vector<1x128xf32> to vector<64x128xf32>
    %mul3A_1019 = arith.mulf %select_n3A_1017, %mul3A_1018 : vector<64x128xf32>
    %swap3A_1020 = arith.constant 0 : index
    %swap3A_1021 = arith.constant 50 : index
    %swap3A_1022 = arith.constant 0 : index
    %swap3A_1023 = arith.constant 0 : index
    %swap3A_1024 = vector.load %arg7[%swap3A_1020, %swap3A_1021, %swap3A_1022, %swap3A_1023] : memref<1x56x64x128xf32, #tpu.memory_space<vmem>>, vector<1x1x64x128xf32>
    %swap3A_1025 = vector.shape_cast %swap3A_1024 : vector<1x1x64x128xf32> to vector<64x128xf32>
    %swap3A_1026 = vector.shape_cast %mul3A_1019 : vector<64x128xf32> to vector<1x1x64x128xf32>
    tpu.vector_store %arg7[%swap3A_1020, %swap3A_1021, %swap3A_1022, %swap3A_1023], %swap3A_1026 {strides = array<i32>} : memref<1x56x64x128xf32, #tpu.memory_space<vmem>>, vector<1x1x64x128xf32>,
    %slice3A_1027 = vector.extract_strided_slice %dot_general3A_82 {offsets = [0, 51], sizes = [64, 1], strides = [1, 1]} : vector<64x56xf32> to vector<64x1xf32>
    %slice3A_1028 = vector.extract_strided_slice %dot_general3A_84 {offsets = [0, 51], sizes = [64, 1], strides = [1, 1]} : vector<64x56xf32> to vector<64x1xf32>
    %broadcast_in_dim3A_1029 = vector.shape_cast %lt3A_87 : vector<1x128xi1> to vector<1x128xi1>
    %broadcast_in_dim3A_1030 = vector.broadcast %broadcast_in_dim3A_1029 : vector<1x128xi1> to vector<64x128xi1>
    %broadcast_in_dim3A_1031 = vector.shape_cast %slice3A_1027 : vector<64x1xf32> to vector<64x1xf32>
    %broadcast_in_dim3A_1032 = vector.broadcast %broadcast_in_dim3A_1031 : vector<64x1xf32> to vector<64x128xf32>
    %broadcast_in_dim3A_1033 = vector.shape_cast %slice3A_1028 : vector<64x1xf32> to vector<64x1xf32>
    %broadcast_in_dim3A_1034 = vector.broadcast %broadcast_in_dim3A_1033 : vector<64x1xf32> to vector<64x128xf32>
    %select_n3A_1035 = arith.select %broadcast_in_dim3A_1030, %broadcast_in_dim3A_1032, %broadcast_in_dim3A_1034 : vector<64x128xi1>, vector<64x128xf32>
    %mul3A_1036 = vector.broadcast %add3A_111 : vector<1x128xf32> to vector<64x128xf32>
    %mul3A_1037 = arith.mulf %select_n3A_1035, %mul3A_1036 : vector<64x128xf32>
    %swap3A_1038 = arith.constant 0 : index
    %swap3A_1039 = arith.constant 51 : index
    %swap3A_1040 = arith.constant 0 : index
    %swap3A_1041 = arith.constant 0 : index
    %swap3A_1042 = vector.load %arg7[%swap3A_1038, %swap3A_1039, %swap3A_1040, %swap3A_1041] : memref<1x56x64x128xf32, #tpu.memory_space<vmem>>, vector<1x1x64x128xf32>
    %swap3A_1043 = vector.shape_cast %swap3A_1042 : vector<1x1x64x128xf32> to vector<64x128xf32>
    %swap3A_1044 = vector.shape_cast %mul3A_1037 : vector<64x128xf32> to vector<1x1x64x128xf32>
    tpu.vector_store %arg7[%swap3A_1038, %swap3A_1039, %swap3A_1040, %swap3A_1041], %swap3A_1044 {strides = array<i32>} : memref<1x56x64x128xf32, #tpu.memory_space<vmem>>, vector<1x1x64x128xf32>,
    %slice3A_1045 = vector.extract_strided_slice %dot_general3A_82 {offsets = [0, 52], sizes = [64, 1], strides = [1, 1]} : vector<64x56xf32> to vector<64x1xf32>
    %slice3A_1046 = vector.extract_strided_slice %dot_general3A_84 {offsets = [0, 52], sizes = [64, 1], strides = [1, 1]} : vector<64x56xf32> to vector<64x1xf32>
    %broadcast_in_dim3A_1047 = vector.shape_cast %lt3A_87 : vector<1x128xi1> to vector<1x128xi1>
    %broadcast_in_dim3A_1048 = vector.broadcast %broadcast_in_dim3A_1047 : vector<1x128xi1> to vector<64x128xi1>
    %broadcast_in_dim3A_1049 = vector.shape_cast %slice3A_1045 : vector<64x1xf32> to vector<64x1xf32>
    %broadcast_in_dim3A_1050 = vector.broadcast %broadcast_in_dim3A_1049 : vector<64x1xf32> to vector<64x128xf32>
    %broadcast_in_dim3A_1051 = vector.shape_cast %slice3A_1046 : vector<64x1xf32> to vector<64x1xf32>
    %broadcast_in_dim3A_1052 = vector.broadcast %broadcast_in_dim3A_1051 : vector<64x1xf32> to vector<64x128xf32>
    %select_n3A_1053 = arith.select %broadcast_in_dim3A_1048, %broadcast_in_dim3A_1050, %broadcast_in_dim3A_1052 : vector<64x128xi1>, vector<64x128xf32>
    %mul3A_1054 = vector.broadcast %add3A_111 : vector<1x128xf32> to vector<64x128xf32>
    %mul3A_1055 = arith.mulf %select_n3A_1053, %mul3A_1054 : vector<64x128xf32>
    %swap3A_1056 = arith.constant 0 : index
    %swap3A_1057 = arith.constant 52 : index
    %swap3A_1058 = arith.constant 0 : index
    %swap3A_1059 = arith.constant 0 : index
    %swap3A_1060 = vector.load %arg7[%swap3A_1056, %swap3A_1057, %swap3A_1058, %swap3A_1059] : memref<1x56x64x128xf32, #tpu.memory_space<vmem>>, vector<1x1x64x128xf32>
    %swap3A_1061 = vector.shape_cast %swap3A_1060 : vector<1x1x64x128xf32> to vector<64x128xf32>
    %swap3A_1062 = vector.shape_cast %mul3A_1055 : vector<64x128xf32> to vector<1x1x64x128xf32>
    tpu.vector_store %arg7[%swap3A_1056, %swap3A_1057, %swap3A_1058, %swap3A_1059], %swap3A_1062 {strides = array<i32>} : memref<1x56x64x128xf32, #tpu.memory_space<vmem>>, vector<1x1x64x128xf32>,
    %slice3A_1063 = vector.extract_strided_slice %dot_general3A_82 {offsets = [0, 53], sizes = [64, 1], strides = [1, 1]} : vector<64x56xf32> to vector<64x1xf32>
    %slice3A_1064 = vector.extract_strided_slice %dot_general3A_84 {offsets = [0, 53], sizes = [64, 1], strides = [1, 1]} : vector<64x56xf32> to vector<64x1xf32>
    %broadcast_in_dim3A_1065 = vector.shape_cast %lt3A_87 : vector<1x128xi1> to vector<1x128xi1>
    %broadcast_in_dim3A_1066 = vector.broadcast %broadcast_in_dim3A_1065 : vector<1x128xi1> to vector<64x128xi1>
    %broadcast_in_dim3A_1067 = vector.shape_cast %slice3A_1063 : vector<64x1xf32> to vector<64x1xf32>
    %broadcast_in_dim3A_1068 = vector.broadcast %broadcast_in_dim3A_1067 : vector<64x1xf32> to vector<64x128xf32>
    %broadcast_in_dim3A_1069 = vector.shape_cast %slice3A_1064 : vector<64x1xf32> to vector<64x1xf32>
    %broadcast_in_dim3A_1070 = vector.broadcast %broadcast_in_dim3A_1069 : vector<64x1xf32> to vector<64x128xf32>
    %select_n3A_1071 = arith.select %broadcast_in_dim3A_1066, %broadcast_in_dim3A_1068, %broadcast_in_dim3A_1070 : vector<64x128xi1>, vector<64x128xf32>
    %mul3A_1072 = vector.broadcast %add3A_111 : vector<1x128xf32> to vector<64x128xf32>
    %mul3A_1073 = arith.mulf %select_n3A_1071, %mul3A_1072 : vector<64x128xf32>
    %swap3A_1074 = arith.constant 0 : index
    %swap3A_1075 = arith.constant 53 : index
    %swap3A_1076 = arith.constant 0 : index
    %swap3A_1077 = arith.constant 0 : index
    %swap3A_1078 = vector.load %arg7[%swap3A_1074, %swap3A_1075, %swap3A_1076, %swap3A_1077] : memref<1x56x64x128xf32, #tpu.memory_space<vmem>>, vector<1x1x64x128xf32>
    %swap3A_1079 = vector.shape_cast %swap3A_1078 : vector<1x1x64x128xf32> to vector<64x128xf32>
    %swap3A_1080 = vector.shape_cast %mul3A_1073 : vector<64x128xf32> to vector<1x1x64x128xf32>
    tpu.vector_store %arg7[%swap3A_1074, %swap3A_1075, %swap3A_1076, %swap3A_1077], %swap3A_1080 {strides = array<i32>} : memref<1x56x64x128xf32, #tpu.memory_space<vmem>>, vector<1x1x64x128xf32>,
    %slice3A_1081 = vector.extract_strided_slice %dot_general3A_82 {offsets = [0, 54], sizes = [64, 1], strides = [1, 1]} : vector<64x56xf32> to vector<64x1xf32>
    %slice3A_1082 = vector.extract_strided_slice %dot_general3A_84 {offsets = [0, 54], sizes = [64, 1], strides = [1, 1]} : vector<64x56xf32> to vector<64x1xf32>
    %broadcast_in_dim3A_1083 = vector.shape_cast %lt3A_87 : vector<1x128xi1> to vector<1x128xi1>
    %broadcast_in_dim3A_1084 = vector.broadcast %broadcast_in_dim3A_1083 : vector<1x128xi1> to vector<64x128xi1>
    %broadcast_in_dim3A_1085 = vector.shape_cast %slice3A_1081 : vector<64x1xf32> to vector<64x1xf32>
    %broadcast_in_dim3A_1086 = vector.broadcast %broadcast_in_dim3A_1085 : vector<64x1xf32> to vector<64x128xf32>
    %broadcast_in_dim3A_1087 = vector.shape_cast %slice3A_1082 : vector<64x1xf32> to vector<64x1xf32>
    %broadcast_in_dim3A_1088 = vector.broadcast %broadcast_in_dim3A_1087 : vector<64x1xf32> to vector<64x128xf32>
    %select_n3A_1089 = arith.select %broadcast_in_dim3A_1084, %broadcast_in_dim3A_1086, %broadcast_in_dim3A_1088 : vector<64x128xi1>, vector<64x128xf32>
    %mul3A_1090 = vector.broadcast %add3A_111 : vector<1x128xf32> to vector<64x128xf32>
    %mul3A_1091 = arith.mulf %select_n3A_1089, %mul3A_1090 : vector<64x128xf32>
    %swap3A_1092 = arith.constant 0 : index
    %swap3A_1093 = arith.constant 54 : index
    %swap3A_1094 = arith.constant 0 : index
    %swap3A_1095 = arith.constant 0 : index
    %swap3A_1096 = vector.load %arg7[%swap3A_1092, %swap3A_1093, %swap3A_1094, %swap3A_1095] : memref<1x56x64x128xf32, #tpu.memory_space<vmem>>, vector<1x1x64x128xf32>
    %swap3A_1097 = vector.shape_cast %swap3A_1096 : vector<1x1x64x128xf32> to vector<64x128xf32>
    %swap3A_1098 = vector.shape_cast %mul3A_1091 : vector<64x128xf32> to vector<1x1x64x128xf32>
    tpu.vector_store %arg7[%swap3A_1092, %swap3A_1093, %swap3A_1094, %swap3A_1095], %swap3A_1098 {strides = array<i32>} : memref<1x56x64x128xf32, #tpu.memory_space<vmem>>, vector<1x1x64x128xf32>,
    %slice3A_1099 = vector.extract_strided_slice %dot_general3A_82 {offsets = [0, 55], sizes = [64, 1], strides = [1, 1]} : vector<64x56xf32> to vector<64x1xf32>
    %slice3A_1100 = vector.extract_strided_slice %dot_general3A_84 {offsets = [0, 55], sizes = [64, 1], strides = [1, 1]} : vector<64x56xf32> to vector<64x1xf32>
    %broadcast_in_dim3A_1101 = vector.shape_cast %lt3A_87 : vector<1x128xi1> to vector<1x128xi1>
    %broadcast_in_dim3A_1102 = vector.broadcast %broadcast_in_dim3A_1101 : vector<1x128xi1> to vector<64x128xi1>
    %broadcast_in_dim3A_1103 = vector.shape_cast %slice3A_1099 : vector<64x1xf32> to vector<64x1xf32>
    %broadcast_in_dim3A_1104 = vector.broadcast %broadcast_in_dim3A_1103 : vector<64x1xf32> to vector<64x128xf32>
    %broadcast_in_dim3A_1105 = vector.shape_cast %slice3A_1100 : vector<64x1xf32> to vector<64x1xf32>
    %broadcast_in_dim3A_1106 = vector.broadcast %broadcast_in_dim3A_1105 : vector<64x1xf32> to vector<64x128xf32>
    %select_n3A_1107 = arith.select %broadcast_in_dim3A_1102, %broadcast_in_dim3A_1104, %broadcast_in_dim3A_1106 : vector<64x128xi1>, vector<64x128xf32>
    %mul3A_1108 = vector.broadcast %add3A_111 : vector<1x128xf32> to vector<64x128xf32>
    %mul3A_1109 = arith.mulf %select_n3A_1107, %mul3A_1108 : vector<64x128xf32>
    %swap3A_1110 = arith.constant 0 : index
    %swap3A_1111 = arith.constant 55 : index
    %swap3A_1112 = arith.constant 0 : index
    %swap3A_1113 = arith.constant 0 : index
    %swap3A_1114 = vector.load %arg7[%swap3A_1110, %swap3A_1111, %swap3A_1112, %swap3A_1113] : memref<1x56x64x128xf32, #tpu.memory_space<vmem>>, vector<1x1x64x128xf32>
    %swap3A_1115 = vector.shape_cast %swap3A_1114 : vector<1x1x64x128xf32> to vector<64x128xf32>
    %swap3A_1116 = vector.shape_cast %mul3A_1109 : vector<64x128xf32> to vector<1x1x64x128xf32>
    tpu.vector_store %arg7[%swap3A_1110, %swap3A_1111, %swap3A_1112, %swap3A_1113], %swap3A_1116 {strides = array<i32>} : memref<1x56x64x128xf32, #tpu.memory_space<vmem>>, vector<1x1x64x128xf32>,
    %iota3A_1117 = tpu.iota {dimensions = array<i32: 0>} : vector<56x128xi32>
    %iota3A_1118 = tpu.iota {dimensions = array<i32: 1>} : vector<56x128xi32>
    %add3A_1119 = vector.broadcast %mul3A_63 : i32 to vector<56x128xi32>
    %add3A_1120 = arith.addi %add3A_1119, %iota3A_1117 : vector<56x128xi32>
    %mul3A_1121 = arith.constant 128 : i32
    %mul3A_1122 = vector.broadcast %mul3A_1121 : i32 to vector<56x128xi32>
    %mul3A_1123 = arith.muli %add3A_1120, %mul3A_1122 : vector<56x128xi32>
    %add3A_1124 = arith.addi %mul3A_1123, %iota3A_1118 : vector<56x128xi32>
    %convert_element_type3A_1125 = arith.sitofp %add3A_1124 : vector<56x128xi32> to vector<56x128xf32>
    %add3A_1126 = arith.constant 5.000000e-01 : f32
    %add3A_1127 = vector.broadcast %add3A_1126 : f32 to vector<56x128xf32>
    %add3A_1128 = arith.addf %convert_element_type3A_1125, %add3A_1127 : vector<56x128xf32>
    %mul3A_1129 = arith.constant 0.00446428591 : f32
    %mul3A_1130 = vector.broadcast %mul3A_1129 : f32 to vector<56x128xf32>
    %mul3A_1131 = arith.mulf %add3A_1128, %mul3A_1130 : vector<56x128xf32>
    %floor3A = math.floor %mul3A_1131 : vector<56x128xf32>
    %mul3A_1132 = arith.constant 2.240000e+02 : f32
    %mul3A_1133 = vector.broadcast %mul3A_1132 : f32 to vector<56x128xf32>
    %mul3A_1134 = arith.mulf %mul3A_1133, %floor3A : vector<56x128xf32>
    %sub3A = arith.subf %convert_element_type3A_1125, %mul3A_1134 : vector<56x128xf32>
    %mul3A_1135 = arith.constant 8.968610e-03 : f32
    %mul3A_1136 = vector.broadcast %mul3A_1135 : f32 to vector<56x128xf32>
    %mul3A_1137 = arith.mulf %sub3A, %mul3A_1136 : vector<56x128xf32>
    %sub3A_1138 = arith.constant 1.000000e+00 : f32
    %sub3A_1139 = vector.broadcast %sub3A_1138 : f32 to vector<56x128xf32>
    %sub3A_1140 = arith.subf %mul3A_1137, %sub3A_1139 : vector<56x128xf32>
    %mul3A_1141 = arith.constant 8.968610e-03 : f32
    %mul3A_1142 = vector.broadcast %mul3A_1141 : f32 to vector<56x128xf32>
    %mul3A_1143 = arith.mulf %floor3A, %mul3A_1142 : vector<56x128xf32>
    %sub3A_1144 = arith.constant 1.000000e+00 : f32
    %sub3A_1145 = vector.broadcast %sub3A_1144 : f32 to vector<56x128xf32>
    %sub3A_1146 = arith.subf %mul3A_1143, %sub3A_1145 : vector<56x128xf32>
    %sub3A_1147 = vector.broadcast %get3A_10 : f32 to vector<56x128xf32>
    %sub3A_1148 = arith.subf %sub3A_1140, %sub3A_1147 : vector<56x128xf32>
    %div3A = vector.broadcast %get3A_2 : f32 to vector<56x128xf32>
    %div3A_1149 = arith.divf %sub3A_1148, %div3A : vector<56x128xf32>
    %sub3A_1150 = vector.broadcast %get3A_14 : f32 to vector<56x128xf32>
    %sub3A_1151 = arith.subf %sub3A_1146, %sub3A_1150 : vector<56x128xf32>
    %div3A_1152 = vector.broadcast %get3A_6 : f32 to vector<56x128xf32>
    %div3A_1153 = arith.divf %sub3A_1151, %div3A_1152 : vector<56x128xf32>
    %mul3A_1154 = vector.broadcast %get3A_18 : f32 to vector<56x128xf32>
    %mul3A_1155 = arith.mulf %div3A_1149, %mul3A_1154 : vector<56x128xf32>
    %mul3A_1156 = vector.broadcast %get3A_22 : f32 to vector<56x128xf32>
    %mul3A_1157 = arith.mulf %div3A_1153, %mul3A_1156 : vector<56x128xf32>
    %add3A_1158 = arith.addf %mul3A_1155, %mul3A_1157 : vector<56x128xf32>
    %add3A_1159 = vector.broadcast %get3A_26 : f32 to vector<56x128xf32>
    %add3A_1160 = arith.addf %add3A_1158, %add3A_1159 : vector<56x128xf32>
    %mul3A_1161 = vector.broadcast %get3A_30 : f32 to vector<56x128xf32>
    %mul3A_1162 = arith.mulf %div3A_1149, %mul3A_1161 : vector<56x128xf32>
    %mul3A_1163 = vector.broadcast %get3A_34 : f32 to vector<56x128xf32>
    %mul3A_1164 = arith.mulf %div3A_1153, %mul3A_1163 : vector<56x128xf32>
    %add3A_1165 = arith.addf %mul3A_1162, %mul3A_1164 : vector<56x128xf32>
    %add3A_1166 = vector.broadcast %get3A_38 : f32 to vector<56x128xf32>
    %add3A_1167 = arith.addf %add3A_1165, %add3A_1166 : vector<56x128xf32>
    %mul3A_1168 = vector.broadcast %get3A_42 : f32 to vector<56x128xf32>
    %mul3A_1169 = arith.mulf %div3A_1149, %mul3A_1168 : vector<56x128xf32>
    %mul3A_1170 = vector.broadcast %get3A_46 : f32 to vector<56x128xf32>
    %mul3A_1171 = arith.mulf %div3A_1153, %mul3A_1170 : vector<56x128xf32>
    %add3A_1172 = arith.addf %mul3A_1169, %mul3A_1171 : vector<56x128xf32>
    %add3A_1173 = vector.broadcast %get3A_50 : f32 to vector<56x128xf32>
    %add3A_1174 = arith.addf %add3A_1172, %add3A_1173 : vector<56x128xf32>
    %mul3A_1175 = arith.mulf %add3A_1160, %add3A_1160 : vector<56x128xf32>
    %mul3A_1176 = arith.mulf %add3A_1167, %add3A_1167 : vector<56x128xf32>
    %add3A_1177 = arith.addf %mul3A_1175, %mul3A_1176 : vector<56x128xf32>
    %mul3A_1178 = arith.mulf %add3A_1174, %add3A_1174 : vector<56x128xf32>
    %add3A_1179 = arith.addf %add3A_1177, %mul3A_1178 : vector<56x128xf32>
    %rsqrt3A = math.rsqrt %add3A_1179 : vector<56x128xf32>
    %mul3A_1180 = arith.mulf %add3A_1160, %rsqrt3A : vector<56x128xf32>
    %mul3A_1181 = arith.mulf %add3A_1167, %rsqrt3A : vector<56x128xf32>
    %mul3A_1182 = arith.mulf %add3A_1174, %rsqrt3A : vector<56x128xf32>
    %concatenate3A = tpu.concatenate %mul3A_1180, %mul3A_1181, %mul3A_1182 in 1 : vector<56x128xf32>, vector<56x128xf32>, vector<56x128xf32> -> vector<56x384xf32>
    %get3A_1183 = arith.constant 0 : index
    %get3A_1184 = arith.constant 0 : index
    %get3A_1185 = arith.constant 0 : index
    %get3A_1186 = vector.load %arg5[%get3A_1183, %get3A_1184, %get3A_1185] : memref<3x384x128xf32, #tpu.memory_space<vmem>>, vector<1x384x128xf32>
    %get3A_1187 = vector.shape_cast %get3A_1186 : vector<1x384x128xf32> to vector<384x128xf32>
    %dot_general3A_1188 = arith.constant dense<0.000000e+00> : vector<56x128xf32>
    %dot_general3A_1189 = tpu.matmul %concatenate3A, %get3A_1187, %dot_general3A_1188 {dimension_numbers = #tpu.dot_dimension_numbers<[1], [0], [0], [1], [0, 0, 1, 1], [], []>, transpose_lhs_hint = false} : vector<56x384xf32>, vector<384x128xf32>, vector<56x128xf32> -> vector<56x128xf32>
    %swap3A_1190 = arith.constant 0 : index
    %swap3A_1191 = arith.constant 0 : index
    %swap3A_1192 = arith.constant 0 : index
    %swap3A_1193 = arith.constant 0 : index
    %swap3A_1194 = vector.load %arg8[%swap3A_1190, %swap3A_1191, %swap3A_1192, %swap3A_1193] : memref<1x56x3x128xf32, #tpu.memory_space<vmem>>, vector<1x56x1x128xf32>
    %swap3A_1195 = vector.shape_cast %swap3A_1194 : vector<1x56x1x128xf32> to vector<56x128xf32>
    %swap3A_1196 = vector.shape_cast %dot_general3A_1189 : vector<56x128xf32> to vector<1x56x1x128xf32>
    tpu.vector_store %arg8[%swap3A_1190, %swap3A_1191, %swap3A_1192, %swap3A_1193], %swap3A_1196 {strides = array<i32>} : memref<1x56x3x128xf32, #tpu.memory_space<vmem>>, vector<1x56x1x128xf32>,
    %get3A_1197 = arith.constant 1 : index
    %get3A_1198 = arith.constant 0 : index
    %get3A_1199 = arith.constant 0 : index
    %get3A_1200 = vector.load %arg5[%get3A_1197, %get3A_1198, %get3A_1199] : memref<3x384x128xf32, #tpu.memory_space<vmem>>, vector<1x384x128xf32>
    %get3A_1201 = vector.shape_cast %get3A_1200 : vector<1x384x128xf32> to vector<384x128xf32>
    %dot_general3A_1202 = arith.constant dense<0.000000e+00> : vector<56x128xf32>
    %dot_general3A_1203 = tpu.matmul %concatenate3A, %get3A_1201, %dot_general3A_1202 {dimension_numbers = #tpu.dot_dimension_numbers<[1], [0], [0], [1], [0, 0, 1, 1], [], []>, transpose_lhs_hint = false} : vector<56x384xf32>, vector<384x128xf32>, vector<56x128xf32> -> vector<56x128xf32>
    %swap3A_1204 = arith.constant 0 : index
    %swap3A_1205 = arith.constant 0 : index
    %swap3A_1206 = arith.constant 1 : index
    %swap3A_1207 = arith.constant 0 : index
    %swap3A_1208 = vector.load %arg8[%swap3A_1204, %swap3A_1205, %swap3A_1206, %swap3A_1207] : memref<1x56x3x128xf32, #tpu.memory_space<vmem>>, vector<1x56x1x128xf32>
    %swap3A_1209 = vector.shape_cast %swap3A_1208 : vector<1x56x1x128xf32> to vector<56x128xf32>
    %swap3A_1210 = vector.shape_cast %dot_general3A_1203 : vector<56x128xf32> to vector<1x56x1x128xf32>
    tpu.vector_store %arg8[%swap3A_1204, %swap3A_1205, %swap3A_1206, %swap3A_1207], %swap3A_1210 {strides = array<i32>} : memref<1x56x3x128xf32, #tpu.memory_space<vmem>>, vector<1x56x1x128xf32>,
    %get3A_1211 = arith.constant 2 : index
    %get3A_1212 = arith.constant 0 : index
    %get3A_1213 = arith.constant 0 : index
    %get3A_1214 = vector.load %arg5[%get3A_1211, %get3A_1212, %get3A_1213] : memref<3x384x128xf32, #tpu.memory_space<vmem>>, vector<1x384x128xf32>
    %get3A_1215 = vector.shape_cast %get3A_1214 : vector<1x384x128xf32> to vector<384x128xf32>
    %dot_general3A_1216 = arith.constant dense<0.000000e+00> : vector<56x128xf32>
    %dot_general3A_1217 = tpu.matmul %concatenate3A, %get3A_1215, %dot_general3A_1216 {dimension_numbers = #tpu.dot_dimension_numbers<[1], [0], [0], [1], [0, 0, 1, 1], [], []>, transpose_lhs_hint = false} : vector<56x384xf32>, vector<384x128xf32>, vector<56x128xf32> -> vector<56x128xf32>
    %swap3A_1218 = arith.constant 0 : index
    %swap3A_1219 = arith.constant 0 : index
    %swap3A_1220 = arith.constant 2 : index
    %swap3A_1221 = arith.constant 0 : index
    %swap3A_1222 = vector.load %arg8[%swap3A_1218, %swap3A_1219, %swap3A_1220, %swap3A_1221] : memref<1x56x3x128xf32, #tpu.memory_space<vmem>>, vector<1x56x1x128xf32>
    %swap3A_1223 = vector.shape_cast %swap3A_1222 : vector<1x56x1x128xf32> to vector<56x128xf32>
    %swap3A_1224 = vector.shape_cast %dot_general3A_1217 : vector<56x128xf32> to vector<1x56x1x128xf32>
    tpu.vector_store %arg8[%swap3A_1218, %swap3A_1219, %swap3A_1220, %swap3A_1221], %swap3A_1224 {strides = array<i32>} : memref<1x56x3x128xf32, #tpu.memory_space<vmem>>, vector<1x56x1x128xf32>,
    %mul3A_1225 = arith.mulf %get3A_54, %get3A_18 : f32
    %mul3A_1226 = arith.mulf %get3A_58, %get3A_22 : f32
    %add3A_1227 = arith.addf %mul3A_1225, %mul3A_1226 : f32
    %mul3A_1228 = arith.mulf %get3A_62, %get3A_26 : f32
    %add3A_1229 = arith.addf %add3A_1227, %mul3A_1228 : f32
    %neg3A = arith.constant 0.000000e+00 : f32
    %neg3A_1230 = arith.subf %neg3A, %add3A_1229 : f32
    %mul3A_1231 = arith.mulf %get3A_54, %get3A_30 : f32
    %mul3A_1232 = arith.mulf %get3A_58, %get3A_34 : f32
    %add3A_1233 = arith.addf %mul3A_1231, %mul3A_1232 : f32
    %mul3A_1234 = arith.mulf %get3A_62, %get3A_38 : f32
    %add3A_1235 = arith.addf %add3A_1233, %mul3A_1234 : f32
    %neg3A_1236 = arith.constant 0.000000e+00 : f32
    %neg3A_1237 = arith.subf %neg3A_1236, %add3A_1235 : f32
    %mul3A_1238 = arith.mulf %get3A_54, %get3A_42 : f32
    %mul3A_1239 = arith.mulf %get3A_58, %get3A_46 : f32
    %add3A_1240 = arith.addf %mul3A_1238, %mul3A_1239 : f32
    %mul3A_1241 = arith.mulf %get3A_62, %get3A_50 : f32
    %add3A_1242 = arith.addf %add3A_1240, %mul3A_1241 : f32
    %neg3A_1243 = arith.constant 0.000000e+00 : f32
    %neg3A_1244 = arith.subf %neg3A_1243, %add3A_1242 : f32
    %get3A_1245 = arith.constant 0 : index
    %get3A_1246 = arith.constant 0 : index
    %get3A_1247 = vector.load %arg6[%get3A_1245, %get3A_1246] : memref<3x128xf32, #tpu.memory_space<vmem>>, vector<1x128xf32>
    %eq3A_1248 = arith.constant 0.000000e+00 : f32
    %eq3A_1249 = vector.broadcast %eq3A_1248 : f32 to vector<1x128xf32>
    %eq3A_1250 = arith.cmpf oeq, %get3A_1247, %eq3A_1249 : vector<1x128xf32>
    %eq3A_1251 = arith.constant 1.000000e+00 : f32
    %eq3A_1252 = vector.broadcast %eq3A_1251 : f32 to vector<1x128xf32>
    %eq3A_1253 = arith.cmpf oeq, %get3A_1247, %eq3A_1252 : vector<1x128xf32>
    %broadcast_in_dim3A_1254 = vector.broadcast %neg3A_1237 : f32 to vector<1x128xf32>
    %broadcast_in_dim3A_1255 = vector.broadcast %neg3A_1244 : f32 to vector<1x128xf32>
    %select_n3A_1256 = arith.select %eq3A_1253, %broadcast_in_dim3A_1254, %broadcast_in_dim3A_1255 : vector<1x128xi1>, vector<1x128xf32>
    %broadcast_in_dim3A_1257 = vector.broadcast %neg3A_1230 : f32 to vector<1x128xf32>
    %select_n3A_1258 = arith.select %eq3A_1250, %broadcast_in_dim3A_1257, %select_n3A_1256 : vector<1x128xi1>, vector<1x128xf32>
    %broadcast_in_dim3A_1259 = vector.shape_cast %select_n3A_1258 : vector<1x128xf32> to vector<1x128xf32>
    %broadcast_in_dim3A_1260 = vector.broadcast %broadcast_in_dim3A_1259 : vector<1x128xf32> to vector<56x128xf32>
    %swap3A_1261 = arith.constant 0 : index
    %swap3A_1262 = arith.constant 0 : index
    %swap3A_1263 = arith.constant 0 : index
    %swap3A_1264 = arith.constant 0 : index
    %swap3A_1265 = vector.load %arg9[%swap3A_1261, %swap3A_1262, %swap3A_1263, %swap3A_1264] : memref<1x56x3x128xf32, #tpu.memory_space<vmem>>, vector<1x56x1x128xf32>
    %swap3A_1266 = vector.shape_cast %swap3A_1265 : vector<1x56x1x128xf32> to vector<56x128xf32>
    %swap3A_1267 = vector.shape_cast %broadcast_in_dim3A_1260 : vector<56x128xf32> to vector<1x56x1x128xf32>
    tpu.vector_store %arg9[%swap3A_1261, %swap3A_1262, %swap3A_1263, %swap3A_1264], %swap3A_1267 {strides = array<i32>} : memref<1x56x3x128xf32, #tpu.memory_space<vmem>>, vector<1x56x1x128xf32>,
    %get3A_1268 = arith.constant 1 : index
    %get3A_1269 = arith.constant 0 : index
    %get3A_1270 = vector.load %arg6[%get3A_1268, %get3A_1269] : memref<3x128xf32, #tpu.memory_space<vmem>>, vector<1x128xf32>
    %eq3A_1271 = arith.constant 0.000000e+00 : f32
    %eq3A_1272 = vector.broadcast %eq3A_1271 : f32 to vector<1x128xf32>
    %eq3A_1273 = arith.cmpf oeq, %get3A_1270, %eq3A_1272 : vector<1x128xf32>
    %eq3A_1274 = arith.constant 1.000000e+00 : f32
    %eq3A_1275 = vector.broadcast %eq3A_1274 : f32 to vector<1x128xf32>
    %eq3A_1276 = arith.cmpf oeq, %get3A_1270, %eq3A_1275 : vector<1x128xf32>
    %broadcast_in_dim3A_1277 = vector.broadcast %neg3A_1237 : f32 to vector<1x128xf32>
    %broadcast_in_dim3A_1278 = vector.broadcast %neg3A_1244 : f32 to vector<1x128xf32>
    %select_n3A_1279 = arith.select %eq3A_1276, %broadcast_in_dim3A_1277, %broadcast_in_dim3A_1278 : vector<1x128xi1>, vector<1x128xf32>
    %broadcast_in_dim3A_1280 = vector.broadcast %neg3A_1230 : f32 to vector<1x128xf32>
    %select_n3A_1281 = arith.select %eq3A_1273, %broadcast_in_dim3A_1280, %select_n3A_1279 : vector<1x128xi1>, vector<1x128xf32>
    %broadcast_in_dim3A_1282 = vector.shape_cast %select_n3A_1281 : vector<1x128xf32> to vector<1x128xf32>
    %broadcast_in_dim3A_1283 = vector.broadcast %broadcast_in_dim3A_1282 : vector<1x128xf32> to vector<56x128xf32>
    %swap3A_1284 = arith.constant 0 : index
    %swap3A_1285 = arith.constant 0 : index
    %swap3A_1286 = arith.constant 1 : index
    %swap3A_1287 = arith.constant 0 : index
    %swap3A_1288 = vector.load %arg9[%swap3A_1284, %swap3A_1285, %swap3A_1286, %swap3A_1287] : memref<1x56x3x128xf32, #tpu.memory_space<vmem>>, vector<1x56x1x128xf32>
    %swap3A_1289 = vector.shape_cast %swap3A_1288 : vector<1x56x1x128xf32> to vector<56x128xf32>
    %swap3A_1290 = vector.shape_cast %broadcast_in_dim3A_1283 : vector<56x128xf32> to vector<1x56x1x128xf32>
    tpu.vector_store %arg9[%swap3A_1284, %swap3A_1285, %swap3A_1286, %swap3A_1287], %swap3A_1290 {strides = array<i32>} : memref<1x56x3x128xf32, #tpu.memory_space<vmem>>, vector<1x56x1x128xf32>,
    %get3A_1291 = arith.constant 2 : index
    %get3A_1292 = arith.constant 0 : index
    %get3A_1293 = vector.load %arg6[%get3A_1291, %get3A_1292] : memref<3x128xf32, #tpu.memory_space<vmem>>, vector<1x128xf32>
    %eq3A_1294 = arith.constant 0.000000e+00 : f32
    %eq3A_1295 = vector.broadcast %eq3A_1294 : f32 to vector<1x128xf32>
    %eq3A_1296 = arith.cmpf oeq, %get3A_1293, %eq3A_1295 : vector<1x128xf32>
    %eq3A_1297 = arith.constant 1.000000e+00 : f32
    %eq3A_1298 = vector.broadcast %eq3A_1297 : f32 to vector<1x128xf32>
    %eq3A_1299 = arith.cmpf oeq, %get3A_1293, %eq3A_1298 : vector<1x128xf32>
    %broadcast_in_dim3A_1300 = vector.broadcast %neg3A_1237 : f32 to vector<1x128xf32>
    %broadcast_in_dim3A_1301 = vector.broadcast %neg3A_1244 : f32 to vector<1x128xf32>
    %select_n3A_1302 = arith.select %eq3A_1299, %broadcast_in_dim3A_1300, %broadcast_in_dim3A_1301 : vector<1x128xi1>, vector<1x128xf32>
    %broadcast_in_dim3A_1303 = vector.broadcast %neg3A_1230 : f32 to vector<1x128xf32>
    %select_n3A_1304 = arith.select %eq3A_1296, %broadcast_in_dim3A_1303, %select_n3A_1302 : vector<1x128xi1>, vector<1x128xf32>
    %broadcast_in_dim3A_1305 = vector.shape_cast %select_n3A_1304 : vector<1x128xf32> to vector<1x128xf32>
    %broadcast_in_dim3A_1306 = vector.broadcast %broadcast_in_dim3A_1305 : vector<1x128xf32> to vector<56x128xf32>
    %swap3A_1307 = arith.constant 0 : index
    %swap3A_1308 = arith.constant 0 : index
    %swap3A_1309 = arith.constant 2 : index
    %swap3A_1310 = arith.constant 0 : index
    %swap3A_1311 = vector.load %arg9[%swap3A_1307, %swap3A_1308, %swap3A_1309, %swap3A_1310] : memref<1x56x3x128xf32, #tpu.memory_space<vmem>>, vector<1x56x1x128xf32>
    %swap3A_1312 = vector.shape_cast %swap3A_1311 : vector<1x56x1x128xf32> to vector<56x128xf32>
    %swap3A_1313 = vector.shape_cast %broadcast_in_dim3A_1306 : vector<56x128xf32> to vector<1x56x1x128xf32>
    tpu.vector_store %arg9[%swap3A_1307, %swap3A_1308, %swap3A_1309, %swap3A_1310], %swap3A_1313 {strides = array<i32>} : memref<1x56x3x128xf32, #tpu.memory_space<vmem>>, vector<1x56x1x128xf32>,
    %get3A_1314 = arith.constant 0 : index
    %get3A_1315 = arith.constant 0 : index
    %get3A_1316 = vector.load %arg4[%get3A_1314, %get3A_1315] : memref<112x128xf32, #tpu.memory_space<vmem>>, vector<112x128xf32>
    %swap3A_1317 = arith.constant 0 : index
    %swap3A_1318 = arith.constant 0 : index
    %swap3A_1319 = arith.constant 0 : index
    %swap3A_1320 = vector.load %arg10[%swap3A_1317, %swap3A_1318, %swap3A_1319] : memref<1x112x128xf32, #tpu.memory_space<vmem>>, vector<1x112x128xf32>
    %swap3A_1321 = vector.shape_cast %swap3A_1320 : vector<1x112x128xf32> to vector<112x128xf32>
    %swap3A_1322 = vector.shape_cast %get3A_1316 : vector<112x128xf32> to vector<1x112x128xf32>
    tpu.vector_store %arg10[%swap3A_1317, %swap3A_1318, %swap3A_1319], %swap3A_1322 {strides = array<i32>} : memref<1x112x128xf32, #tpu.memory_space<vmem>>, vector<1x112x128xf32>,
    return
  }
  func.func @transform_0(%arg0: i32, %arg1: i32) -> (i32, i32, i32) {
    %c0_i32 = arith.constant 0 : i32
    %c0_i32_0 = arith.constant 0 : i32
    %c0_i32_1 = arith.constant 0 : i32
    return %arg1, %c0_i32, %c0_i32_0 : i32, i32, i32
  }
  func.func @transform_1(%arg0: i32, %arg1: i32) -> (i32, i32, i32) {
    %c0_i32 = arith.constant 0 : i32
    %c0_i32_0 = arith.constant 0 : i32
    return %arg1, %arg0, %c0_i32 : i32, i32, i32
  }
  func.func @transform_2(%arg0: i32, %arg1: i32) -> (i32, i32) {
    %c0_i32 = arith.constant 0 : i32
    %c0_i32_0 = arith.constant 0 : i32
    return %arg0, %c0_i32 : i32, i32
  }
  func.func @transform_3(%arg0: i32, %arg1: i32) -> (i32, i32, i32) {
    %c0_i32 = arith.constant 0 : i32
    %c0_i32_0 = arith.constant 0 : i32
    %c0_i32_1 = arith.constant 0 : i32
    %c0_i32_2 = arith.constant 0 : i32
    return %c0_i32, %c0_i32_0, %c0_i32_1 : i32, i32, i32
  }
  func.func @transform_4(%arg0: i32, %arg1: i32) -> (i32, i32) {
    %c0_i32 = arith.constant 0 : i32
    %c0_i32_0 = arith.constant 0 : i32
    %c0_i32_1 = arith.constant 0 : i32
    return %c0_i32, %c0_i32_0 : i32, i32
  }
  func.func @transform_5(%arg0: i32, %arg1: i32) -> (i32, i32, i32, i32) {
    %c0_i32 = arith.constant 0 : i32
    %c0_i32_0 = arith.constant 0 : i32
    %c0_i32_1 = arith.constant 0 : i32
    return %arg1, %arg0, %c0_i32, %c0_i32_0 : i32, i32, i32, i32
  }
  func.func @transform_6(%arg0: i32, %arg1: i32) -> (i32, i32, i32, i32) {
    %c0_i32 = arith.constant 0 : i32
    %c0_i32_0 = arith.constant 0 : i32
    %c0_i32_1 = arith.constant 0 : i32
    return %arg1, %arg0, %c0_i32, %c0_i32_0 : i32, i32, i32, i32
  }
  func.func @transform_7(%arg0: i32, %arg1: i32) -> (i32, i32, i32, i32) {
    %c0_i32 = arith.constant 0 : i32
    %c0_i32_0 = arith.constant 0 : i32
    %c0_i32_1 = arith.constant 0 : i32
    return %arg1, %arg0, %c0_i32, %c0_i32_0 : i32, i32, i32, i32
  }
  func.func @transform_8(%arg0: i32, %arg1: i32) -> (i32, i32, i32) {
    %c0_i32 = arith.constant 0 : i32
    %c0_i32_0 = arith.constant 0 : i32
    return %arg1, %arg0, %c0_i32 : i32, i32, i32
  }
}

</mosaic_0001>

<sc_bundles>
// kernel: sparse-core-data-format-call.cloned.1.call-start
scs
called_computation_lowered:
.L_overlay_start_0:
0x0: {  	s2 =	sld [smem:$0x3FD9]  }
0x1: {  	s3 =	sld [smem:$0x3FFE];
	_ =	sdelay $0x1  }
0x2: {  	s1 =	srdreg.scid  }
0x3: {  	s0 =	sand.u32 $0x1, s1  }
0x4: {  	s15 =	sshll.u32 s0, $0xA;
	s2 =	sadd.s32 s3, s2  }
0x5: {  	s2 =	sadd.s32 s2, s15  }
0x6: {  	[smem:$0x3FC2] =	sst s2  }
0x7: {  	_ = 	snop  }
0x8: {  	s2 =	sld [smem:$0x3FD0];
	_ =	sdelay $0x2  }
0x9: {  	s16 =	simm.s32 $0xA;
	s4 =	simm.s32 $0x10  }
0xa: {  	[smem:s4], [sflag:s16] =	dma.local [hbm:s2], $0x1  }
0xb: {  	_ =	swait.eq [sflag:s16], $0x1  }
0xc: {  	[sflag:s16] =	ssyncset.done $0x0  }
0xd: {  	[sflag:s16] =	ssyncadd.s32 $0xFFFFFFFF  }
0xe: {  	s17 =	sld [smem:$0x12];
	(tm) =	ssettm $0x1  }
0xf: {  	s18 =	sld [smem:$0x3FFB];
	_ =	sdelay $0x3  }
0x10: {  	_ =	strace s18  }
0x11: {  	s3 =	sld [smem:$0x3FFC];
	_ =	sdelay $0x3  }
0x12: {  	_ =	strace s3  }
0x13: {  	s3 =	sld [smem:$0x3FFD];
	_ =	sdelay $0x3  }
0x14: {  	_ =	strace s3  }
0x15: {  	_ =	strace $0x8FFFFFFF  }
0x16: {  	s19 =	sld [smem:$0x3FDB];
	_ =	sdelay $0x1  }
0x17: {  	s20 =	simm.s32 $_scs_section_size  }
0x18: {  	s5 =	simm.s32 $_size__tile_overlayer_lowered;
	s6 =	simm.s32 $_tile_overlayer_lowered  }
0x19: {  	s23 =	simm.s32 $0x1BFF;
	s22 =	sshll.u32 s6, $0x1;
	s3 =	sadd.s32 s20, s19  }
0x1a: {  	s7 =	simm.s32 $0x0;
	s21 =	sshll.u32 s5, $0x1;
	s5 =	sadd.s32 s22, s3  }
0x1b: {  	[timem:s7], [sflag:s23] =	dma.local [hbm:s5], s21  }
0x1c: {  	_ =	swait.ge [sflag:s23], s21  }
0x1d: {  	s4 =	ssub.s32 $0x0, s21;
	[sflag:s23] =	ssyncset.done $0x0  }
0x1e: {  	[sflag:s23] =	ssyncadd.s32 s4;
	_ =	sdelay $0x1  }
0x1f: {  	s24 =	simm.s32 $0x1B8B  }
0x20: {  	_ =	swait.ge [sflag:s24], $0x1  }
0x21: {  	[sflag:s24] =	ssyncset.done $0x0  }
0x22: {  	s26 =	simm.s32 $0x1B8E;
	s25 =	sld [smem:$0x3FFE];
	[sflag:s24] =	ssyncadd.s32 $0xFFFFFFFF  }
0x23: {  	s27 =	simm.s32 $execute0_lowered;
	[smem:$0x3FD2] =	sst s26  }
0x24: {  	s5 =	sshll.u32 s27, $0x1;
	_ =	strace $0x80000046;
	[dreg:$0x1] =	wrdreg $0xFFFFFFFF  }
0x25: {  	s28 =	simm.s32 $_size_execute0_lowered;
	s3 =	sadd.s32 s3, s5;
	[dreg:$0x0] =	wrdreg $0x0  }
0x26: {  	s5 =	sshll.u32 s28, $0x1;
	[dreg:$0x2] =	wrdreg s3  }
0x27: {  	[dreg:$0x3] =	wrdreg s5  }
0x28: {  	[dreg:$0x4] =	wrdreg $0xC0  }
0x29: {  	_ =	task [dreg:s7], $0x5FFFF  }
0x2a: {  	[dreg:$0x1] =	wrdreg $0xFFFFFFFF  }
0x2b: {  	[dreg:$0x0] =	wrdreg $0x60  }
0x2c: {  	[dreg:$0x2] =	wrdreg s25  }
0x2d: {  	[dreg:$0x3] =	wrdreg s17  }
0x2e: {  	[dreg:$0x4] =	wrdreg $0x9  }
0x2f: {  	_ =	task.clear_ibuf [dreg:s7], $0x5FFFF;
	_ =	strace $0x90000046  }
0x30: {  	s29 =	simm.s32 $0x9;
	_ =	strace $0x80000048  }
0x31: {  	_ =	swait.ge [sflag:s29], $0x1  }
0x32: {  	[sflag:s29] =	ssyncadd.s32 $0xFFFFFFFF  }
0x33: {  	_ =	strace $0x90000048  }
0x34: {  	_ =	sfence  }
0x35: {  	s30 =	sld [smem:$0x0];
	_ =	sdelay $0x2  }
0x36: {  	s31 =	sshll.u32 s1, $0xD;
	s1 =	sshrl.u32 s1, $0x2  }
0x37: {  	s3 =	sand.u32 $0x4000, s31;
	s1 =	sadd.s32 s1, s30  }
0x38: {  	s0 =	sor.u32 s3, s0;
	s1 =	sshll.u32 s1, $0x11  }
0x39: {  	s0 =	sor.u32 s1, s0  }
0x3a: {  	s0 =	sadd.s32 $0x8F2B, s0  }
0x3b: {  	[sflag:s0] =	ssyncadd.remote.s32 $0x1  }
0x3c: {  	_ =	sfence.sel $0xFFFF  }
0x3d: {  	[dreg:$0x0] =	wrdreg $0xFFFFFFFF;
	(pc) =	sbr.abs _section_cstart, $3  }
0x3e: {  	[dreg:$0x1] =	wrdreg $0xFFFFFFFF  }
0x3f: {  	_ =	task.clear_ibuf [dreg:s7], $0x2FFFF;
	_ =	strace $0x9FFFFFFF  }
0x40: {  	(tm) =	ssettm $0x7FFFFFFF  }
0x41: {  	_ =	shalt  }
tec
execute0_lowered:
.L_overlay_start_1:
0x0: {  	(tag) =	ssettag $0x1  }
0x1: {  	s3 =	rddreg [dreg:$0x0]  }
0x2: {  	s2 =	rddreg [dreg:$0x1]  }
0x3: {  	s1 =	srdreg.scid;
	s0 =	rddreg [dreg:$0x2];
	_ =	strace $0x80000047  }
0x4: {  	s7 =	simm.s32 $0x2;
	s12 =	simm.s32 $0x0;
	p0 =	por $0x0, $0x0  }
0x5: {  	s13 =	simm.s32 $0x0;
	s14 =	simm.s32 $0x0;
	s9 =	simm.s32 $0x0  }
.Ltmp0:
0x6: {  	s8 =	simm.s32 $0x0;
	s4 =	sshll.u32 s1, $0x4;
	(pc) =	sbr.rel .LBB1_1-.Ltmp0, $4  }
0x7: {  	s1 =	stileid.u32;
	s3 =	sadd.s32 $0x33000, s3;
	s4 =	sand.u32 $0x10, s4  }
0x8: {  	s5 =	sand.u32 $0x3, s1;
	s6 =	sor.u32 s1, s4;
	s4 =	simm.s32 $0x1  }
0x9: {  	s11 =	smov.u32 s5;
	[sflag:s4] =	ssyncpa.u1 $0x0;
	s6 =	sshrl.u32 s6, $0x2  }
0xa: {  	[sflag:s7] =	ssyncpa.u1 $0x0;
	s7 =	simm.s32 $0x800;
	s10 =	smov.u32 s6  }
.LBB1_5:
0xb: {  	s15 =	sadd.s32 $0x80, s9  }
0xc: {  	s12 =	sadd.s32 $0x8, s10;
	s16 =	smov.u32 s10;
	p2 =	sgt.s32 s15, $0xDF  }
0xd: {  	s16 =	smov.u32 @p2 s12  }
0xe: {  	s18 =	smov.u32 s11;
	s12 =	sadd.s32 $0x4, s11;
	p3 =	sgt.s32 s16, $0xDF  }
0xf: {  	p1 =	slt.u32 s8, $0x2;
	s18 =	smov.u32 @p3 s12  }
0x10: {  	s8 =	sadd.s32 $0x1, s8;
	s15 =	simm.s32 @p2 $0x0;
	p2 =	sgt.s32 s18, $0x3  }
0x11: {  	s18 =	smov.u32 @p2 s5;
	p2 =	sne.s32 s8, $0x3A  }
.Ltmp1:
0x12: {  	s17 =	simm.s32 @!p1 $0x2;
	(pc) =	sbr.rel @!p2 .LBB1_6-.Ltmp1, $4  }
0x13: {  	s13 =	smov.u32 s10;
	_ =	swait.ge @!p1 [sflag:s17], $0x2000  }
0x14: {  	s14 =	smov.u32 s11;
	p0 =	por !p0, !p0;
	[sflag:s17] =	ssyncset.done @!p1 $0x0  }
0x15: {  	s16 =	smov.u32 @p3 s6;
	s12 =	smov.u32 s9;
	[sflag:s17] =	ssyncadd.s32 @!p1 $0xFFFFE000  }
0x16: {  	s9 =	smov.u32 s15;
	s10 =	smov.u32 s16;
	s11 =	smov.u32 s18  }
.LBB1_1:
0x17: {  	p1 =	sgt.u32 s8, $0x37;
	s17 =	smov.u32 s11  }
0x18: {  	s19 =	smov.u32 s10;
	s15 =	sand.u32 @!p1 $0x1FFFFFF, s9;
	p2 =	sgt.s32 @!p1 s11, $0x3  }
0x19: {  	s18 =	sshra.s32 @!p1 s11, $0x1F;
	s20 =	sshra.s32 @!p1 s10, $0x1F;
	p2 =	por !p2, p1  }
0x1a: {  	s16 =	smulhi.u32 @!p1 $0x2492493, s15;
	s17 =	simm.s32 @p2 $0x3;
	p2 =	sgt.s32 @!p1 s10, $0xDF  }
0x1b: {  	s18 =	sand.u32 @!p1 s18, s11;
	s20 =	sand.u32 @!p1 s20, s10;
	p2 =	por !p2, p1  }
0x1c: {  	s16 =	sshrl.u32 @!p1 s16, $0x1;
	s17 =	ssub.s32 @!p1 s17, s18;
	s19 =	simm.s32 @p2 $0xDF  }
0x1d: {  	p2 =	sgt.s32 @!p1 s9, $0x60;
	s17 =	sadd.s32 @!p1 $0xFFFFFFFD, s17;
	s18 =	ssub.s32 @!p1 s19, s20  }
0x1e: {  	p2 =	por !p2, p1;
	s20 =	smov.u32 s9;
	s19 =	sadd.s32 @!p1 $0xFFFFFF21, s18  }
0x1f: {  	s20 =	simm.s32 @p2 $0x60;
	p3 =	sgt.s32 @!p1 s19, $0x0;
	s19 =	sshra.s32 @!p1 s9, $0x1F  }
0x20: {  	p2 =	sgt.s32 @!p1 s17, $0x0;
	s17 =	sshll.u32 @!p1 s17, $0x6;
	s19 =	sand.u32 @!p1 s19, s9  }
0x21: {  	s18 =	ssub.s32 @!p1 $0xE0, s18;
	s17 =	ssub.s32 @!p1 $0x40, s17;
	s19 =	ssub.s32 @!p1 s20, s19  }
0x22: {  	p2 =	por !p2, p1;
	p3 =	por !p3, p1;
	s20 =	sadd.s32 @!p1 $0xFFFFFFA0, s19  }
0x23: {  	s17 =	simm.s32 @!p2 $0x0;
	s18 =	simm.s32 @!p3 $0x0;
	p3 =	sgt.s32 @!p1 s20, $0x7F  }
0x24: {  	s19 =	ssub.s32 @!p1 $0xE0, s19;
	s17 =	smul.u32 @!p1 s18, s17;
	p2 =	por !p3, p1  }
0x25: {  	s16 =	smul.u32 @!p1 $0xE0, s16;
	s19 =	simm.s32 @!p2 $0x0  }
0x26: {  	s17 =	smul.u32 @!p1 s19, s17  }
0x27: {  	s19 =	smul.u32 @!p1 $0xC4000, s11  }
0x28: {  	s15 =	ssub.s32 @!p1 s15, s16;
	s18 =	sxor.u32 @!p1 $0xFFFFFFFF, s8;
	s20 =	smul.u32 @!p1 $0xE00, s10  }
0x29: {  	s15 =	sshll.u32 @!p1 s15, $0x4;
	s18 =	sshll.u32 @!p1 s18, $0xD;
	s16 =	sadd.s32 @!p1 s3, s19  }
0x2a: {  	s18 =	sand.u32 @!p1 $0x2000, s18;
	s17 =	sand.u32 @!p1 $0x3FFFFFC0, s17;
	s16 =	sadd.s32 @!p1 s20, s16  }
0x2b: {  	s19 =	simm.s32 @!p1 $0x80;
	s15 =	sadd.s32 @!p1 s15, s16;
	s16 =	simm.s32 @!p1 $0x40  }
0x2c: {  	[tilespmem:s18], [sflag:$0x1] =	stream.strided.gather @!p1 [hbm4b:s15+s16], s17, s19, s16, $0x38;
	[tilespmem:$0x8080] =	vst v63  }
0x2d: {  	p1 =	seq.s32 s8, $0x0  }
0x2e: {  	p2 =	seq.s32 @!p1 s8, $0x39  }
0x2f: {  	p1 =	por p1, p2  }
.Ltmp2:
0x30: {  	_ = 	snop;
	(pc) =	sbr.rel @p1 .LBB1_5-.Ltmp2, $1  }
0x31: {  	_ =	sdelay $0x3  }
0x32: {  	p1 =	sgt.s32 s14, $0x3  }
0x33: {  	s15 =	smov.u32 s14;
	s16 =	sshra.s32 s14, $0x1F;
	s17 =	sshra.s32 s13, $0x1F  }
0x34: {  	p2 =	sgt.s32 s12, $0x60;
	s15 =	simm.s32 @!p1 $0x3;
	s16 =	sand.u32 s16, s14  }
0x35: {  	s19 =	sshra.s32 s12, $0x1F;
	p1 =	sgt.s32 s13, $0xDF;
	s15 =	ssub.s32 s15, s16  }
0x36: {  	s17 =	sand.u32 s17, s13;
	s16 =	smov.u32 s13;
	s15 =	sadd.s32 $0xFFFFFFFD, s15  }
0x37: {  	s26 =	sand.u32 s19, s12;
	s16 =	simm.s32 @!p1 $0xDF;
	p1 =	sgt.s32 s15, $0x0  }
0x38: {  	s16 =	ssub.s32 s16, s17;
	s17 =	smov.u32 s12;
	s15 =	sshll.u32 s15, $0x6  }
0x39: {  	s18 =	sadd.s32 $0xFFFFFF21, s16;
	s17 =	simm.s32 @!p2 $0x60;
	s16 =	ssub.s32 $0xE0, s16  }
0x3a: {  	s15 =	ssub.s32 $0x40, s15;
	p2 =	sgt.s32 s18, $0x0;
	s17 =	ssub.s32 s17, s26  }
0x3b: {  	s15 =	simm.s32 @p1 $0x0;
	s16 =	simm.s32 @p2 $0x0;
	s18 =	sadd.s32 $0xFFFFFFA0, s17  }
0x3c: {  	s17 =	ssub.s32 $0xE0, s17;
	p1 =	sgt.s32 s18, $0x7F;
	s15 =	smul.u32 s16, s15  }
0x3d: {  	s17 =	simm.s32 @p1 $0x0  }
0x3e: {  	s15 =	smul.u32 s17, s15;
	_ =	sdelay $0x1  }
0x3f: {  	s16 =	simm.s32 $0x1;
	s15 =	sand.u32 $0x3FFFFFC0, s15  }
0x40: {  	s16 =	simm.s32 @!p0 $0x0;
	_ =	swait.ge [sflag:s4], s15  }
0x41: {  	s27 =	sshll.u32 s16, $0xD;
	s15 =	ssub.s32 $0x0, s15;
	[sflag:s4] =	ssyncset.done $0x0  }
0x42: {  	s28 =	sor.u32 $0x20, s27;
	[sflag:s4] =	ssyncadd.s32 s15  }
0x43: {  	s29 =	smul.u32 $0x8100, s16;
	v3 =	vld [tilespmem:s28+$0x10]  }
0x44: {  	s30 =	sand.u32 $0x1, s8;
	v2 =	vld [tilespmem:s28+$0xFFFFFFF0]  }
0x45: {  	s16 =	smul.u32 $0x8100, s30;
	s15 =	sshrl.u32 s29, $0x2;
	v0 =	vld [tilespmem:s28+$0x0]  }
0x46: {  	s17 =	sor.u32 $0x4000, s15;
	v1 =	vld [tilespmem:s28+$0xFFFFFFE0]  }
0x47: {  	s31 =	sshrl.u32 s16, $0x2;
	s16 =	sadd.s32 $0x0, s17  }
0x48: {  	s18 =	simm.s32 $0x4;
	s19 =	sadd.s32 $0x40, s28;
	s15 =	sor.u32 $0x4000, s31;
	[tilespmem:s16+$0x1830 ss:$0x81] =	vst.msk $0xffff, v3  }
.LBB1_3:
0x49: {  	v3 =	vld [tilespmem:s19+$0x10];
	p1 =	sne.s32 s18, $0x1FC;
	[tilespmem:s16+$0x810 ss:$0x81] =	vst.msk $0xffff, v2;
	s20 =	smov.u32 s18;
	s18 =	sadd.s32 $0x4, s18  }
.Ltmp3:
0x4a: {  	v2 =	vld [tilespmem:s19+$0xFFFFFFF0];
	[tilespmem:s16+$0x1020 ss:$0x81] =	vst.msk $0xffff, v0;
	(pc) =	sbr.rel @p1 .LBB1_3-.Ltmp3, $4  }
0x4b: {  	v0 =	vld [tilespmem:s19+$0x0];
	[tilespmem:s16+$0x0 ss:$0x81] =	vst.msk $0xffff, v1  }
0x4c: {  	s16 =	sshra.s32 s20, $0x2;
	v1 =	vld [tilespmem:s19+$0xFFFFFFE0]  }
0x4d: {  	s16 =	sadd.s32 s16, s17  }
0x4e: {  	s19 =	sadd.s32 $0x40, s19;
	[tilespmem:s16+$0x1830 ss:$0x81] =	vst.msk $0xffff, v3  }
0x4f: {  	s14 =	smul.u32 $0x70000, s14  }
0x50: {  	s17 =	sand.u32 $0x780, s12  }
.Ltmp4:
0x51: {  	s13 =	sshll.u32 s13, $0xB;
	s14 =	sadd.s32 s2, s14;
	(pc) =	sbr.rel .LBB1_5-.Ltmp4, $4  }
0x52: {  	[tilespmem:s16+$0x810 ss:$0x81] =	vst.msk $0xffff, v2;
	s18 =	sshrl.u32 s12, $0x3;
	s30 =	sand.u32 $0x7, s12;
	s13 =	sadd.s32 s13, s14  }
0x53: {  	[tilespmem:s16+$0x1020 ss:$0x81] =	vst.msk $0xffff, v0;
	s31 =	sand.u32 $0xF, s18;
	s12 =	sshll.u32 s30, $0x12;
	s13 =	sadd.s32 s17, s13  }
0x54: {  	[tilespmem:s16+$0x0 ss:$0x81] =	vst.msk $0xffff, v1;
	s12 =	sor.u32 $0x400, s12;
	s13 =	sadd.s32 s31, s13  }
0x55: {  	[hbm4b:s13+s12] =	stream.strided.scatter [tilespmem:s15], [sflag:$0x2], $0x2000, s7, s12, $0x20;
	[tilespmem:$0x8080] =	vst v63  }
.LBB1_6:
0x56: {  	_ =	sfence.sel $0x180000  }
0x57: {  	s2 =	simm.s32 $0x1;
	[bflag:$0x0] =	sbarrier.arrive $0xFFFF  }
0x58: {  	s31 =	simm.s32 $0x2;
	[sflag:s2] =	ssyncpa.u1 $0x1  }
0x59: {  	[sflag:s31] =	ssyncpa.u1 $0x1  }
0x5a: {  	p0 =	sne.s32 s1, $0x0;
	_ =	strace $0x90000047  }
0x5b: {  	s0 =	sadd.s32 @!p0 $0x100000, s0;
	[bflag:$0x2] =	sbarrier.arrive $0xFFFF  }
0x5c: {  	[sflag:s0] =	ssyncadd.tile.s32 @!p0 $0x1;
	_ =	shalt  }
.Lfunc_end1:
_tile_overlayer_lowered:
.L_overlay_start_2:
0x5d: {  	(tag) =	ssettag $0x2  }
0x5e: {  	s0 =	rddreg [dreg:$0x0];
	s2 =	stileid.u32  }
0x5f: {  	s1 =	rddreg [dreg:$0x1];
	p0 =	sne.s32 s2, $0x0  }
0x60: {  	s3 =	rddreg [dreg:$0x2];
	[bflag:$0x3] =	sbarrier.arrive $0xFFFF;
	s2 =	simm.s32 @!p0 $0x1C01  }
0x61: {  	[timem:s3], [sflag:s2] =	dma.local @!p0 [hbm:s0], s1  }
0x62: {  	s0 =	simm.s32 @!p0 $0x1  }
0x63: {  	_ =	swait.ge @!p0 [sflag:s0], s1  }
0x64: {  	s1 =	ssub.s32 @!p0 $0x0, s1;
	[sflag:s0] =	ssyncset.done @!p0 $0x0  }
0x65: {  	[sflag:s0] =	ssyncadd.s32 @!p0 s1  }
0x66: {  	[bflag:$0x3] =	sbarrier.arrive $0xFFFF  }
0x67: {  	_ =	shalt  }

</sc_bundles>
